<compile_context>
chip_gen: v7x
topology: tpu7x:2x2x1
jax: 0.10.2.dev20260603
libtpu: 0.0.44.dev20260713+nightly
codegen_flags: <defaults>
</compile_context>

<pallas_src>
import functools

import jax
import jax.numpy as jnp
from jax import lax
from jax.experimental import pallas as pl
from jax.experimental.pallas import tpu as pltpu
from jax.experimental.pallas import tpu_sc as plsc

EMBEDDING_DIM = 32
CHUNK = 1664


@functools.cache
def _build(B, D):
    info = plsc.get_sparse_core_info()
    NC, NS = info.num_cores, info.num_subcores
    NW = NC * NS
    assert B % NW == 0
    b_per_w = B // NW
    assert b_per_w % CHUNK == 0
    n_chunks = b_per_w // CHUNK

    mesh = plsc.VectorSubcoreMesh(core_axis_name="c", subcore_axis_name="s")

    @functools.partial(
        pl.kernel,
        mesh=mesh,
        out_type=jax.ShapeDtypeStruct((B, D), jnp.float32),
        scratch_types=[
            pltpu.VMEM((CHUNK,), jnp.int32),
            pltpu.VMEM((CHUNK,), jnp.int32),
            pltpu.VMEM((CHUNK, D), jnp.float32),
            pltpu.VMEM((CHUNK, D), jnp.float32),
            pltpu.SemaphoreType.DMA,
            pltpu.SemaphoreType.DMA,
            pltpu.SemaphoreType.DMA,
            pltpu.SemaphoreType.DMA,
            pltpu.SemaphoreType.DMA,
            pltpu.SemaphoreType.DMA,
        ],
        compiler_params=pltpu.CompilerParams(use_tc_tiling_on_sc=False),
    )
    def gather_kernel(idx_hbm, table_hbm, out_hbm,
                      i0, i1, r0, r1, si0, si1, sg0, sg1, ss0, ss1):
        idx_bufs, rows_bufs = [i0, i1], [r0, r1]
        sem_i, sem_g, sem_s = [si0, si1], [sg0, sg1], [ss0, ss1]
        wid = lax.axis_index("s") * NC + lax.axis_index("c")
        base = wid * b_per_w

        def idx_start(i):
            off = base + i * CHUNK
            return pltpu.async_copy(
                idx_hbm.at[pl.ds(off, CHUNK)], idx_bufs[i % 2], sem_i[i % 2])

        def gather_start(i):
            return pltpu.async_copy(
                table_hbm.at[idx_bufs[i % 2]], rows_bufs[i % 2], sem_g[i % 2])

        def store_start(i):
            off = base + i * CHUNK
            return pltpu.async_copy(
                rows_bufs[i % 2], out_hbm.at[pl.ds(off, CHUNK)], sem_s[i % 2])

        d_idx, d_g, d_s = {}, {}, {}
        d_idx[0] = idx_start(0)
        if n_chunks > 1:
            d_idx[1] = idx_start(1)
        d_idx[0].wait()
        d_g[0] = gather_start(0)
        for i in range(n_chunks):
            d_g[i].wait()
            d_s[i] = store_start(i)
            if i + 1 < n_chunks:
                if i - 1 >= 0:
                    d_s[i - 1].wait()
                d_idx[i + 1].wait()
                d_g[i + 1] = gather_start(i + 1)
            if i + 2 < n_chunks:
                d_idx[i + 2] = idx_start(i + 2)
        if n_chunks >= 2:
            d_s[n_chunks - 2].wait()
        d_s[n_chunks - 1].wait()

    return gather_kernel


def kernel(x, embeddings):
    n, s = x.shape
    B = n * s
    xf = x.reshape(B).astype(jnp.int32)
    out = _build(B, EMBEDDING_DIM)(xf, embeddings)
    return out.reshape(n, s, EMBEDDING_DIM)

# --- scband reference (transcript-rebuilt; emitter-appended) ---
"""Pipeline reference for scband-custom-embeddings-65446711656975 (READ-ONLY COPY).

The authoritative reference and input builder live on the scoring server;
editing this copy changes nothing except your own understanding.
"""

import jax, jax.numpy as jnp
import numpy as np

VOCAB_SIZE = 1000000
EMBEDDING_DIM = 32


def setup_inputs(seed: int = 0) -> dict:
    key = jax.random.key(seed)
    k_idx, k_emb = jax.random.split(key)
    x = jax.random.randint(k_idx, (16384, 26), 0, VOCAB_SIZE, dtype=jnp.int64)
    embeddings = jax.random.normal(k_emb, (VOCAB_SIZE, EMBEDDING_DIM), dtype=jnp.float32)
    return {"x": x, "embeddings": embeddings}


def reference(x, embeddings):
    # Faithful translation of CustomEmbeddings.forward: self.embeddings[x]
    return jnp.take(embeddings, x, axis=0)

if __name__ == "__main__":
    import jax
    _d = setup_inputs()
    print(jax.jit(kernel)(*tuple(_d.values())))

</pallas_src>

<mosaic_0001>
#map = affine_map<(d0, d1) -> (0)>
#map1 = affine_map<(d0, d1) -> (0, 0)>
module attributes {stable_mosaic.version = 14 : i64} {
  func.func @gather_kernel(%arg0: i32, %arg1: i32, %arg2: memref<425984xi32, #tpu.memory_space<hbm>>, %arg3: memref<1000000x32xf32, #tpu.memory_space<hbm>>, %arg4: memref<425984x32xf32, #tpu.memory_space<hbm>>, %arg5: memref<1664xi32, #tpu.memory_space<vmem>>, %arg6: memref<1664xi32, #tpu.memory_space<vmem>>, %arg7: memref<1664x32xf32, #tpu.memory_space<vmem>>, %arg8: memref<1664x32xf32, #tpu.memory_space<vmem>>, %arg9: memref<!tpu.dma_semaphore, #tpu.memory_space<semaphore_mem>>, %arg10: memref<!tpu.dma_semaphore, #tpu.memory_space<semaphore_mem>>, %arg11: memref<!tpu.dma_semaphore, #tpu.memory_space<semaphore_mem>>, %arg12: memref<!tpu.dma_semaphore, #tpu.memory_space<semaphore_mem>>, %arg13: memref<!tpu.dma_semaphore, #tpu.memory_space<semaphore_mem>>, %arg14: memref<!tpu.dma_semaphore, #tpu.memory_space<semaphore_mem>>) attributes {dimension_semantics = [#tpu.dimension_semantics<core_parallel>, #tpu.dimension_semantics<subcore_parallel>], iteration_bounds = array<i64: 2, 16>, scalar_prefetch = 0 : i64, scratch_operands = 10 : i64, tpu.core_type = #tpu.core_type<sc_vector_subcore>, window_params = [{transform_indices = #map}, {transform_indices = #map1}, {transform_indices = #map1}]} {
    %mul3A = arith.constant 2 : i32
    %mul3A_0 = arith.muli %arg1, %mul3A : i32
    %add3A = arith.addi %mul3A_0, %arg0 : i32
    %mul3A_1 = arith.constant 13312 : i32
    %mul3A_2 = arith.muli %add3A, %mul3A_1 : i32
    %add3A_3 = arith.constant 0 : i32
    %add3A_4 = arith.addi %mul3A_2, %add3A_3 : i32
    %dma_start3A = tpu.memref_slice %arg2[%add3A_4] : memref<425984xi32, #tpu.memory_space<hbm>> -> memref<1664xi32, #tpu.memory_space<hbm>>
    %dma_start3A_5 = tpu.memref_slice %arg2[%add3A_4] : memref<425984xi32, #tpu.memory_space<hbm>> -> memref<1664xi32, #tpu.memory_space<hbm>>
    tpu.enqueue_dma source(%dma_start3A_5 : memref<1664xi32, #tpu.memory_space<hbm>>) target(%arg5 : memref<1664xi32, #tpu.memory_space<vmem>>) target_semaphore(%arg9 : memref<!tpu.dma_semaphore, #tpu.memory_space<semaphore_mem>>)
    %add3A_6 = arith.constant 1664 : i32
    %add3A_7 = arith.addi %mul3A_2, %add3A_6 : i32
    %dma_start3A_8 = tpu.memref_slice %arg2[%add3A_7] : memref<425984xi32, #tpu.memory_space<hbm>> -> memref<1664xi32, #tpu.memory_space<hbm>>
    %dma_start3A_9 = tpu.memref_slice %arg2[%add3A_7] : memref<425984xi32, #tpu.memory_space<hbm>> -> memref<1664xi32, #tpu.memory_space<hbm>>
    tpu.enqueue_dma source(%dma_start3A_9 : memref<1664xi32, #tpu.memory_space<hbm>>) target(%arg6 : memref<1664xi32, #tpu.memory_space<vmem>>) target_semaphore(%arg10 : memref<!tpu.dma_semaphore, #tpu.memory_space<semaphore_mem>>)
    %dma_wait3A = tpu.memref_slice %arg2[%add3A_4] : memref<425984xi32, #tpu.memory_space<hbm>> -> memref<1664xi32, #tpu.memory_space<hbm>>
    %dma_wait3A_10 = tpu.memref_slice %arg2[%add3A_4] : memref<425984xi32, #tpu.memory_space<hbm>> -> memref<1664xi32, #tpu.memory_space<hbm>>
    tpu.wait_dma2 semaphore(%arg9 : memref<!tpu.dma_semaphore, #tpu.memory_space<semaphore_mem>>) src(%dma_wait3A_10 : memref<1664xi32, #tpu.memory_space<hbm>>) dst(%arg5 : memref<1664xi32, #tpu.memory_space<vmem>>)
    %dma_start3A_11 = arith.constant 0 : i32
    %dma_start3A_12 = arith.constant 0 : i32
    %dma_start3A_13 = tpu.memref_slice %arg3[%dma_start3A_11, %dma_start3A_12] : memref<1000000x32xf32, #tpu.memory_space<hbm>> -> memref<1000000x32xf32, #tpu.memory_space<hbm>>
    tpu.enqueue_indirect_dma source(%dma_start3A_13 : memref<1000000x32xf32, #tpu.memory_space<hbm>>) target(%arg7 : memref<1664x32xf32, #tpu.memory_space<vmem>>) offsets(%arg5 : memref<1664xi32, #tpu.memory_space<vmem>>) semaphore(%arg11 : memref<!tpu.dma_semaphore, #tpu.memory_space<semaphore_mem>>)
    %dma_wait3A_14 = arith.constant 0 : i32
    %dma_wait3A_15 = arith.constant 0 : i32
    %dma_wait3A_16 = tpu.memref_slice %arg3[%dma_wait3A_14, %dma_wait3A_15] : memref<1000000x32xf32, #tpu.memory_space<hbm>> -> memref<1000000x32xf32, #tpu.memory_space<hbm>>
    tpu.wait_indirect_dma semaphore(%arg11 : memref<!tpu.dma_semaphore, #tpu.memory_space<semaphore_mem>>) src(%dma_wait3A_16 : memref<1000000x32xf32, #tpu.memory_space<hbm>>) dst(%arg7 : memref<1664x32xf32, #tpu.memory_space<vmem>>)
    %add3A_17 = arith.constant 0 : i32
    %add3A_18 = arith.addi %mul3A_2, %add3A_17 : i32
    %dma_start3A_19 = arith.constant 0 : i32
    %dma_start3A_20 = tpu.memref_slice %arg4[%add3A_18, %dma_start3A_19] : memref<425984x32xf32, #tpu.memory_space<hbm>> -> memref<1664x32xf32, #tpu.memory_space<hbm>>
    %dma_start3A_21 = arith.constant 0 : i32
    %dma_start3A_22 = tpu.memref_slice %arg4[%add3A_18, %dma_start3A_21] : memref<425984x32xf32, #tpu.memory_space<hbm>> -> memref<1664x32xf32, #tpu.memory_space<hbm>>
    tpu.enqueue_dma source(%arg7 : memref<1664x32xf32, #tpu.memory_space<vmem>>) target(%dma_start3A_22 : memref<1664x32xf32, #tpu.memory_space<hbm>>) target_semaphore(%arg13 : memref<!tpu.dma_semaphore, #tpu.memory_space<semaphore_mem>>)
    %dma_wait3A_23 = tpu.memref_slice %arg2[%add3A_7] : memref<425984xi32, #tpu.memory_space<hbm>> -> memref<1664xi32, #tpu.memory_space<hbm>>
    %dma_wait3A_24 = tpu.memref_slice %arg2[%add3A_7] : memref<425984xi32, #tpu.memory_space<hbm>> -> memref<1664xi32, #tpu.memory_space<hbm>>
    tpu.wait_dma2 semaphore(%arg10 : memref<!tpu.dma_semaphore, #tpu.memory_space<semaphore_mem>>) src(%dma_wait3A_24 : memref<1664xi32, #tpu.memory_space<hbm>>) dst(%arg6 : memref<1664xi32, #tpu.memory_space<vmem>>)
    %dma_start3A_25 = arith.constant 0 : i32
    %dma_start3A_26 = arith.constant 0 : i32
    %dma_start3A_27 = tpu.memref_slice %arg3[%dma_start3A_25, %dma_start3A_26] : memref<1000000x32xf32, #tpu.memory_space<hbm>> -> memref<1000000x32xf32, #tpu.memory_space<hbm>>
    tpu.enqueue_indirect_dma source(%dma_start3A_27 : memref<1000000x32xf32, #tpu.memory_space<hbm>>) target(%arg8 : memref<1664x32xf32, #tpu.memory_space<vmem>>) offsets(%arg6 : memref<1664xi32, #tpu.memory_space<vmem>>) semaphore(%arg12 : memref<!tpu.dma_semaphore, #tpu.memory_space<semaphore_mem>>)
    %add3A_28 = arith.constant 3328 : i32
    %add3A_29 = arith.addi %mul3A_2, %add3A_28 : i32
    %dma_start3A_30 = tpu.memref_slice %arg2[%add3A_29] : memref<425984xi32, #tpu.memory_space<hbm>> -> memref<1664xi32, #tpu.memory_space<hbm>>
    %dma_start3A_31 = tpu.memref_slice %arg2[%add3A_29] : memref<425984xi32, #tpu.memory_space<hbm>> -> memref<1664xi32, #tpu.memory_space<hbm>>
    tpu.enqueue_dma source(%dma_start3A_31 : memref<1664xi32, #tpu.memory_space<hbm>>) target(%arg5 : memref<1664xi32, #tpu.memory_space<vmem>>) target_semaphore(%arg9 : memref<!tpu.dma_semaphore, #tpu.memory_space<semaphore_mem>>)
    %dma_wait3A_32 = arith.constant 0 : i32
    %dma_wait3A_33 = arith.constant 0 : i32
    %dma_wait3A_34 = tpu.memref_slice %arg3[%dma_wait3A_32, %dma_wait3A_33] : memref<1000000x32xf32, #tpu.memory_space<hbm>> -> memref<1000000x32xf32, #tpu.memory_space<hbm>>
    tpu.wait_indirect_dma semaphore(%arg12 : memref<!tpu.dma_semaphore, #tpu.memory_space<semaphore_mem>>) src(%dma_wait3A_34 : memref<1000000x32xf32, #tpu.memory_space<hbm>>) dst(%arg8 : memref<1664x32xf32, #tpu.memory_space<vmem>>)
    %add3A_35 = arith.constant 1664 : i32
    %add3A_36 = arith.addi %mul3A_2, %add3A_35 : i32
    %dma_start3A_37 = arith.constant 0 : i32
    %dma_start3A_38 = tpu.memref_slice %arg4[%add3A_36, %dma_start3A_37] : memref<425984x32xf32, #tpu.memory_space<hbm>> -> memref<1664x32xf32, #tpu.memory_space<hbm>>
    %dma_start3A_39 = arith.constant 0 : i32
    %dma_start3A_40 = tpu.memref_slice %arg4[%add3A_36, %dma_start3A_39] : memref<425984x32xf32, #tpu.memory_space<hbm>> -> memref<1664x32xf32, #tpu.memory_space<hbm>>
    tpu.enqueue_dma source(%arg8 : memref<1664x32xf32, #tpu.memory_space<vmem>>) target(%dma_start3A_40 : memref<1664x32xf32, #tpu.memory_space<hbm>>) target_semaphore(%arg14 : memref<!tpu.dma_semaphore, #tpu.memory_space<semaphore_mem>>)
    %dma_wait3A_41 = arith.constant 0 : i32
    %dma_wait3A_42 = tpu.memref_slice %arg4[%add3A_18, %dma_wait3A_41] : memref<425984x32xf32, #tpu.memory_space<hbm>> -> memref<1664x32xf32, #tpu.memory_space<hbm>>
    %dma_wait3A_43 = arith.constant 0 : i32
    %dma_wait3A_44 = tpu.memref_slice %arg4[%add3A_18, %dma_wait3A_43] : memref<425984x32xf32, #tpu.memory_space<hbm>> -> memref<1664x32xf32, #tpu.memory_space<hbm>>
    tpu.wait_dma2 semaphore(%arg13 : memref<!tpu.dma_semaphore, #tpu.memory_space<semaphore_mem>>) src(%arg7 : memref<1664x32xf32, #tpu.memory_space<vmem>>) dst(%dma_wait3A_44 : memref<1664x32xf32, #tpu.memory_space<hbm>>)
    %dma_wait3A_45 = tpu.memref_slice %arg2[%add3A_29] : memref<425984xi32, #tpu.memory_space<hbm>> -> memref<1664xi32, #tpu.memory_space<hbm>>
    %dma_wait3A_46 = tpu.memref_slice %arg2[%add3A_29] : memref<425984xi32, #tpu.memory_space<hbm>> -> memref<1664xi32, #tpu.memory_space<hbm>>
    tpu.wait_dma2 semaphore(%arg9 : memref<!tpu.dma_semaphore, #tpu.memory_space<semaphore_mem>>) src(%dma_wait3A_46 : memref<1664xi32, #tpu.memory_space<hbm>>) dst(%arg5 : memref<1664xi32, #tpu.memory_space<vmem>>)
    %dma_start3A_47 = arith.constant 0 : i32
    %dma_start3A_48 = arith.constant 0 : i32
    %dma_start3A_49 = tpu.memref_slice %arg3[%dma_start3A_47, %dma_start3A_48] : memref<1000000x32xf32, #tpu.memory_space<hbm>> -> memref<1000000x32xf32, #tpu.memory_space<hbm>>
    tpu.enqueue_indirect_dma source(%dma_start3A_49 : memref<1000000x32xf32, #tpu.memory_space<hbm>>) target(%arg7 : memref<1664x32xf32, #tpu.memory_space<vmem>>) offsets(%arg5 : memref<1664xi32, #tpu.memory_space<vmem>>) semaphore(%arg11 : memref<!tpu.dma_semaphore, #tpu.memory_space<semaphore_mem>>)
    %add3A_50 = arith.constant 4992 : i32
    %add3A_51 = arith.addi %mul3A_2, %add3A_50 : i32
    %dma_start3A_52 = tpu.memref_slice %arg2[%add3A_51] : memref<425984xi32, #tpu.memory_space<hbm>> -> memref<1664xi32, #tpu.memory_space<hbm>>
    %dma_start3A_53 = tpu.memref_slice %arg2[%add3A_51] : memref<425984xi32, #tpu.memory_space<hbm>> -> memref<1664xi32, #tpu.memory_space<hbm>>
    tpu.enqueue_dma source(%dma_start3A_53 : memref<1664xi32, #tpu.memory_space<hbm>>) target(%arg6 : memref<1664xi32, #tpu.memory_space<vmem>>) target_semaphore(%arg10 : memref<!tpu.dma_semaphore, #tpu.memory_space<semaphore_mem>>)
    %dma_wait3A_54 = arith.constant 0 : i32
    %dma_wait3A_55 = arith.constant 0 : i32
    %dma_wait3A_56 = tpu.memref_slice %arg3[%dma_wait3A_54, %dma_wait3A_55] : memref<1000000x32xf32, #tpu.memory_space<hbm>> -> memref<1000000x32xf32, #tpu.memory_space<hbm>>
    tpu.wait_indirect_dma semaphore(%arg11 : memref<!tpu.dma_semaphore, #tpu.memory_space<semaphore_mem>>) src(%dma_wait3A_56 : memref<1000000x32xf32, #tpu.memory_space<hbm>>) dst(%arg7 : memref<1664x32xf32, #tpu.memory_space<vmem>>)
    %add3A_57 = arith.constant 3328 : i32
    %add3A_58 = arith.addi %mul3A_2, %add3A_57 : i32
    %dma_start3A_59 = arith.constant 0 : i32
    %dma_start3A_60 = tpu.memref_slice %arg4[%add3A_58, %dma_start3A_59] : memref<425984x32xf32, #tpu.memory_space<hbm>> -> memref<1664x32xf32, #tpu.memory_space<hbm>>
    %dma_start3A_61 = arith.constant 0 : i32
    %dma_start3A_62 = tpu.memref_slice %arg4[%add3A_58, %dma_start3A_61] : memref<425984x32xf32, #tpu.memory_space<hbm>> -> memref<1664x32xf32, #tpu.memory_space<hbm>>
    tpu.enqueue_dma source(%arg7 : memref<1664x32xf32, #tpu.memory_space<vmem>>) target(%dma_start3A_62 : memref<1664x32xf32, #tpu.memory_space<hbm>>) target_semaphore(%arg13 : memref<!tpu.dma_semaphore, #tpu.memory_space<semaphore_mem>>)
    %dma_wait3A_63 = arith.constant 0 : i32
    %dma_wait3A_64 = tpu.memref_slice %arg4[%add3A_36, %dma_wait3A_63] : memref<425984x32xf32, #tpu.memory_space<hbm>> -> memref<1664x32xf32, #tpu.memory_space<hbm>>
    %dma_wait3A_65 = arith.constant 0 : i32
    %dma_wait3A_66 = tpu.memref_slice %arg4[%add3A_36, %dma_wait3A_65] : memref<425984x32xf32, #tpu.memory_space<hbm>> -> memref<1664x32xf32, #tpu.memory_space<hbm>>
    tpu.wait_dma2 semaphore(%arg14 : memref<!tpu.dma_semaphore, #tpu.memory_space<semaphore_mem>>) src(%arg8 : memref<1664x32xf32, #tpu.memory_space<vmem>>) dst(%dma_wait3A_66 : memref<1664x32xf32, #tpu.memory_space<hbm>>)
    %dma_wait3A_67 = tpu.memref_slice %arg2[%add3A_51] : memref<425984xi32, #tpu.memory_space<hbm>> -> memref<1664xi32, #tpu.memory_space<hbm>>
    %dma_wait3A_68 = tpu.memref_slice %arg2[%add3A_51] : memref<425984xi32, #tpu.memory_space<hbm>> -> memref<1664xi32, #tpu.memory_space<hbm>>
    tpu.wait_dma2 semaphore(%arg10 : memref<!tpu.dma_semaphore, #tpu.memory_space<semaphore_mem>>) src(%dma_wait3A_68 : memref<1664xi32, #tpu.memory_space<hbm>>) dst(%arg6 : memref<1664xi32, #tpu.memory_space<vmem>>)
    %dma_start3A_69 = arith.constant 0 : i32
    %dma_start3A_70 = arith.constant 0 : i32
    %dma_start3A_71 = tpu.memref_slice %arg3[%dma_start3A_69, %dma_start3A_70] : memref<1000000x32xf32, #tpu.memory_space<hbm>> -> memref<1000000x32xf32, #tpu.memory_space<hbm>>
    tpu.enqueue_indirect_dma source(%dma_start3A_71 : memref<1000000x32xf32, #tpu.memory_space<hbm>>) target(%arg8 : memref<1664x32xf32, #tpu.memory_space<vmem>>) offsets(%arg6 : memref<1664xi32, #tpu.memory_space<vmem>>) semaphore(%arg12 : memref<!tpu.dma_semaphore, #tpu.memory_space<semaphore_mem>>)
    %add3A_72 = arith.constant 6656 : i32
    %add3A_73 = arith.addi %mul3A_2, %add3A_72 : i32
    %dma_start3A_74 = tpu.memref_slice %arg2[%add3A_73] : memref<425984xi32, #tpu.memory_space<hbm>> -> memref<1664xi32, #tpu.memory_space<hbm>>
    %dma_start3A_75 = tpu.memref_slice %arg2[%add3A_73] : memref<425984xi32, #tpu.memory_space<hbm>> -> memref<1664xi32, #tpu.memory_space<hbm>>
    tpu.enqueue_dma source(%dma_start3A_75 : memref<1664xi32, #tpu.memory_space<hbm>>) target(%arg5 : memref<1664xi32, #tpu.memory_space<vmem>>) target_semaphore(%arg9 : memref<!tpu.dma_semaphore, #tpu.memory_space<semaphore_mem>>)
    %dma_wait3A_76 = arith.constant 0 : i32
    %dma_wait3A_77 = arith.constant 0 : i32
    %dma_wait3A_78 = tpu.memref_slice %arg3[%dma_wait3A_76, %dma_wait3A_77] : memref<1000000x32xf32, #tpu.memory_space<hbm>> -> memref<1000000x32xf32, #tpu.memory_space<hbm>>
    tpu.wait_indirect_dma semaphore(%arg12 : memref<!tpu.dma_semaphore, #tpu.memory_space<semaphore_mem>>) src(%dma_wait3A_78 : memref<1000000x32xf32, #tpu.memory_space<hbm>>) dst(%arg8 : memref<1664x32xf32, #tpu.memory_space<vmem>>)
    %add3A_79 = arith.constant 4992 : i32
    %add3A_80 = arith.addi %mul3A_2, %add3A_79 : i32
    %dma_start3A_81 = arith.constant 0 : i32
    %dma_start3A_82 = tpu.memref_slice %arg4[%add3A_80, %dma_start3A_81] : memref<425984x32xf32, #tpu.memory_space<hbm>> -> memref<1664x32xf32, #tpu.memory_space<hbm>>
    %dma_start3A_83 = arith.constant 0 : i32
    %dma_start3A_84 = tpu.memref_slice %arg4[%add3A_80, %dma_start3A_83] : memref<425984x32xf32, #tpu.memory_space<hbm>> -> memref<1664x32xf32, #tpu.memory_space<hbm>>
    tpu.enqueue_dma source(%arg8 : memref<1664x32xf32, #tpu.memory_space<vmem>>) target(%dma_start3A_84 : memref<1664x32xf32, #tpu.memory_space<hbm>>) target_semaphore(%arg14 : memref<!tpu.dma_semaphore, #tpu.memory_space<semaphore_mem>>)
    %dma_wait3A_85 = arith.constant 0 : i32
    %dma_wait3A_86 = tpu.memref_slice %arg4[%add3A_58, %dma_wait3A_85] : memref<425984x32xf32, #tpu.memory_space<hbm>> -> memref<1664x32xf32, #tpu.memory_space<hbm>>
    %dma_wait3A_87 = arith.constant 0 : i32
    %dma_wait3A_88 = tpu.memref_slice %arg4[%add3A_58, %dma_wait3A_87] : memref<425984x32xf32, #tpu.memory_space<hbm>> -> memref<1664x32xf32, #tpu.memory_space<hbm>>
    tpu.wait_dma2 semaphore(%arg13 : memref<!tpu.dma_semaphore, #tpu.memory_space<semaphore_mem>>) src(%arg7 : memref<1664x32xf32, #tpu.memory_space<vmem>>) dst(%dma_wait3A_88 : memref<1664x32xf32, #tpu.memory_space<hbm>>)
    %dma_wait3A_89 = tpu.memref_slice %arg2[%add3A_73] : memref<425984xi32, #tpu.memory_space<hbm>> -> memref<1664xi32, #tpu.memory_space<hbm>>
    %dma_wait3A_90 = tpu.memref_slice %arg2[%add3A_73] : memref<425984xi32, #tpu.memory_space<hbm>> -> memref<1664xi32, #tpu.memory_space<hbm>>
    tpu.wait_dma2 semaphore(%arg9 : memref<!tpu.dma_semaphore, #tpu.memory_space<semaphore_mem>>) src(%dma_wait3A_90 : memref<1664xi32, #tpu.memory_space<hbm>>) dst(%arg5 : memref<1664xi32, #tpu.memory_space<vmem>>)
    %dma_start3A_91 = arith.constant 0 : i32
    %dma_start3A_92 = arith.constant 0 : i32
    %dma_start3A_93 = tpu.memref_slice %arg3[%dma_start3A_91, %dma_start3A_92] : memref<1000000x32xf32, #tpu.memory_space<hbm>> -> memref<1000000x32xf32, #tpu.memory_space<hbm>>
    tpu.enqueue_indirect_dma source(%dma_start3A_93 : memref<1000000x32xf32, #tpu.memory_space<hbm>>) target(%arg7 : memref<1664x32xf32, #tpu.memory_space<vmem>>) offsets(%arg5 : memref<1664xi32, #tpu.memory_space<vmem>>) semaphore(%arg11 : memref<!tpu.dma_semaphore, #tpu.memory_space<semaphore_mem>>)
    %add3A_94 = arith.constant 8320 : i32
    %add3A_95 = arith.addi %mul3A_2, %add3A_94 : i32
    %dma_start3A_96 = tpu.memref_slice %arg2[%add3A_95] : memref<425984xi32, #tpu.memory_space<hbm>> -> memref<1664xi32, #tpu.memory_space<hbm>>
    %dma_start3A_97 = tpu.memref_slice %arg2[%add3A_95] : memref<425984xi32, #tpu.memory_space<hbm>> -> memref<1664xi32, #tpu.memory_space<hbm>>
    tpu.enqueue_dma source(%dma_start3A_97 : memref<1664xi32, #tpu.memory_space<hbm>>) target(%arg6 : memref<1664xi32, #tpu.memory_space<vmem>>) target_semaphore(%arg10 : memref<!tpu.dma_semaphore, #tpu.memory_space<semaphore_mem>>)
    %dma_wait3A_98 = arith.constant 0 : i32
    %dma_wait3A_99 = arith.constant 0 : i32
    %dma_wait3A_100 = tpu.memref_slice %arg3[%dma_wait3A_98, %dma_wait3A_99] : memref<1000000x32xf32, #tpu.memory_space<hbm>> -> memref<1000000x32xf32, #tpu.memory_space<hbm>>
    tpu.wait_indirect_dma semaphore(%arg11 : memref<!tpu.dma_semaphore, #tpu.memory_space<semaphore_mem>>) src(%dma_wait3A_100 : memref<1000000x32xf32, #tpu.memory_space<hbm>>) dst(%arg7 : memref<1664x32xf32, #tpu.memory_space<vmem>>)
    %add3A_101 = arith.constant 6656 : i32
    %add3A_102 = arith.addi %mul3A_2, %add3A_101 : i32
    %dma_start3A_103 = arith.constant 0 : i32
    %dma_start3A_104 = tpu.memref_slice %arg4[%add3A_102, %dma_start3A_103] : memref<425984x32xf32, #tpu.memory_space<hbm>> -> memref<1664x32xf32, #tpu.memory_space<hbm>>
    %dma_start3A_105 = arith.constant 0 : i32
    %dma_start3A_106 = tpu.memref_slice %arg4[%add3A_102, %dma_start3A_105] : memref<425984x32xf32, #tpu.memory_space<hbm>> -> memref<1664x32xf32, #tpu.memory_space<hbm>>
    tpu.enqueue_dma source(%arg7 : memref<1664x32xf32, #tpu.memory_space<vmem>>) target(%dma_start3A_106 : memref<1664x32xf32, #tpu.memory_space<hbm>>) target_semaphore(%arg13 : memref<!tpu.dma_semaphore, #tpu.memory_space<semaphore_mem>>)
    %dma_wait3A_107 = arith.constant 0 : i32
    %dma_wait3A_108 = tpu.memref_slice %arg4[%add3A_80, %dma_wait3A_107] : memref<425984x32xf32, #tpu.memory_space<hbm>> -> memref<1664x32xf32, #tpu.memory_space<hbm>>
    %dma_wait3A_109 = arith.constant 0 : i32
    %dma_wait3A_110 = tpu.memref_slice %arg4[%add3A_80, %dma_wait3A_109] : memref<425984x32xf32, #tpu.memory_space<hbm>> -> memref<1664x32xf32, #tpu.memory_space<hbm>>
    tpu.wait_dma2 semaphore(%arg14 : memref<!tpu.dma_semaphore, #tpu.memory_space<semaphore_mem>>) src(%arg8 : memref<1664x32xf32, #tpu.memory_space<vmem>>) dst(%dma_wait3A_110 : memref<1664x32xf32, #tpu.memory_space<hbm>>)
    %dma_wait3A_111 = tpu.memref_slice %arg2[%add3A_95] : memref<425984xi32, #tpu.memory_space<hbm>> -> memref<1664xi32, #tpu.memory_space<hbm>>
    %dma_wait3A_112 = tpu.memref_slice %arg2[%add3A_95] : memref<425984xi32, #tpu.memory_space<hbm>> -> memref<1664xi32, #tpu.memory_space<hbm>>
    tpu.wait_dma2 semaphore(%arg10 : memref<!tpu.dma_semaphore, #tpu.memory_space<semaphore_mem>>) src(%dma_wait3A_112 : memref<1664xi32, #tpu.memory_space<hbm>>) dst(%arg6 : memref<1664xi32, #tpu.memory_space<vmem>>)
    %dma_start3A_113 = arith.constant 0 : i32
    %dma_start3A_114 = arith.constant 0 : i32
    %dma_start3A_115 = tpu.memref_slice %arg3[%dma_start3A_113, %dma_start3A_114] : memref<1000000x32xf32, #tpu.memory_space<hbm>> -> memref<1000000x32xf32, #tpu.memory_space<hbm>>
    tpu.enqueue_indirect_dma source(%dma_start3A_115 : memref<1000000x32xf32, #tpu.memory_space<hbm>>) target(%arg8 : memref<1664x32xf32, #tpu.memory_space<vmem>>) offsets(%arg6 : memref<1664xi32, #tpu.memory_space<vmem>>) semaphore(%arg12 : memref<!tpu.dma_semaphore, #tpu.memory_space<semaphore_mem>>)
    %add3A_116 = arith.constant 9984 : i32
    %add3A_117 = arith.addi %mul3A_2, %add3A_116 : i32
    %dma_start3A_118 = tpu.memref_slice %arg2[%add3A_117] : memref<425984xi32, #tpu.memory_space<hbm>> -> memref<1664xi32, #tpu.memory_space<hbm>>
    %dma_start3A_119 = tpu.memref_slice %arg2[%add3A_117] : memref<425984xi32, #tpu.memory_space<hbm>> -> memref<1664xi32, #tpu.memory_space<hbm>>
    tpu.enqueue_dma source(%dma_start3A_119 : memref<1664xi32, #tpu.memory_space<hbm>>) target(%arg5 : memref<1664xi32, #tpu.memory_space<vmem>>) target_semaphore(%arg9 : memref<!tpu.dma_semaphore, #tpu.memory_space<semaphore_mem>>)
    %dma_wait3A_120 = arith.constant 0 : i32
    %dma_wait3A_121 = arith.constant 0 : i32
    %dma_wait3A_122 = tpu.memref_slice %arg3[%dma_wait3A_120, %dma_wait3A_121] : memref<1000000x32xf32, #tpu.memory_space<hbm>> -> memref<1000000x32xf32, #tpu.memory_space<hbm>>
    tpu.wait_indirect_dma semaphore(%arg12 : memref<!tpu.dma_semaphore, #tpu.memory_space<semaphore_mem>>) src(%dma_wait3A_122 : memref<1000000x32xf32, #tpu.memory_space<hbm>>) dst(%arg8 : memref<1664x32xf32, #tpu.memory_space<vmem>>)
    %add3A_123 = arith.constant 8320 : i32
    %add3A_124 = arith.addi %mul3A_2, %add3A_123 : i32
    %dma_start3A_125 = arith.constant 0 : i32
    %dma_start3A_126 = tpu.memref_slice %arg4[%add3A_124, %dma_start3A_125] : memref<425984x32xf32, #tpu.memory_space<hbm>> -> memref<1664x32xf32, #tpu.memory_space<hbm>>
    %dma_start3A_127 = arith.constant 0 : i32
    %dma_start3A_128 = tpu.memref_slice %arg4[%add3A_124, %dma_start3A_127] : memref<425984x32xf32, #tpu.memory_space<hbm>> -> memref<1664x32xf32, #tpu.memory_space<hbm>>
    tpu.enqueue_dma source(%arg8 : memref<1664x32xf32, #tpu.memory_space<vmem>>) target(%dma_start3A_128 : memref<1664x32xf32, #tpu.memory_space<hbm>>) target_semaphore(%arg14 : memref<!tpu.dma_semaphore, #tpu.memory_space<semaphore_mem>>)
    %dma_wait3A_129 = arith.constant 0 : i32
    %dma_wait3A_130 = tpu.memref_slice %arg4[%add3A_102, %dma_wait3A_129] : memref<425984x32xf32, #tpu.memory_space<hbm>> -> memref<1664x32xf32, #tpu.memory_space<hbm>>
    %dma_wait3A_131 = arith.constant 0 : i32
    %dma_wait3A_132 = tpu.memref_slice %arg4[%add3A_102, %dma_wait3A_131] : memref<425984x32xf32, #tpu.memory_space<hbm>> -> memref<1664x32xf32, #tpu.memory_space<hbm>>
    tpu.wait_dma2 semaphore(%arg13 : memref<!tpu.dma_semaphore, #tpu.memory_space<semaphore_mem>>) src(%arg7 : memref<1664x32xf32, #tpu.memory_space<vmem>>) dst(%dma_wait3A_132 : memref<1664x32xf32, #tpu.memory_space<hbm>>)
    %dma_wait3A_133 = tpu.memref_slice %arg2[%add3A_117] : memref<425984xi32, #tpu.memory_space<hbm>> -> memref<1664xi32, #tpu.memory_space<hbm>>
    %dma_wait3A_134 = tpu.memref_slice %arg2[%add3A_117] : memref<425984xi32, #tpu.memory_space<hbm>> -> memref<1664xi32, #tpu.memory_space<hbm>>
    tpu.wait_dma2 semaphore(%arg9 : memref<!tpu.dma_semaphore, #tpu.memory_space<semaphore_mem>>) src(%dma_wait3A_134 : memref<1664xi32, #tpu.memory_space<hbm>>) dst(%arg5 : memref<1664xi32, #tpu.memory_space<vmem>>)
    %dma_start3A_135 = arith.constant 0 : i32
    %dma_start3A_136 = arith.constant 0 : i32
    %dma_start3A_137 = tpu.memref_slice %arg3[%dma_start3A_135, %dma_start3A_136] : memref<1000000x32xf32, #tpu.memory_space<hbm>> -> memref<1000000x32xf32, #tpu.memory_space<hbm>>
    tpu.enqueue_indirect_dma source(%dma_start3A_137 : memref<1000000x32xf32, #tpu.memory_space<hbm>>) target(%arg7 : memref<1664x32xf32, #tpu.memory_space<vmem>>) offsets(%arg5 : memref<1664xi32, #tpu.memory_space<vmem>>) semaphore(%arg11 : memref<!tpu.dma_semaphore, #tpu.memory_space<semaphore_mem>>)
    %add3A_138 = arith.constant 11648 : i32
    %add3A_139 = arith.addi %mul3A_2, %add3A_138 : i32
    %dma_start3A_140 = tpu.memref_slice %arg2[%add3A_139] : memref<425984xi32, #tpu.memory_space<hbm>> -> memref<1664xi32, #tpu.memory_space<hbm>>
    %dma_start3A_141 = tpu.memref_slice %arg2[%add3A_139] : memref<425984xi32, #tpu.memory_space<hbm>> -> memref<1664xi32, #tpu.memory_space<hbm>>
    tpu.enqueue_dma source(%dma_start3A_141 : memref<1664xi32, #tpu.memory_space<hbm>>) target(%arg6 : memref<1664xi32, #tpu.memory_space<vmem>>) target_semaphore(%arg10 : memref<!tpu.dma_semaphore, #tpu.memory_space<semaphore_mem>>)
    %dma_wait3A_142 = arith.constant 0 : i32
    %dma_wait3A_143 = arith.constant 0 : i32
    %dma_wait3A_144 = tpu.memref_slice %arg3[%dma_wait3A_142, %dma_wait3A_143] : memref<1000000x32xf32, #tpu.memory_space<hbm>> -> memref<1000000x32xf32, #tpu.memory_space<hbm>>
    tpu.wait_indirect_dma semaphore(%arg11 : memref<!tpu.dma_semaphore, #tpu.memory_space<semaphore_mem>>) src(%dma_wait3A_144 : memref<1000000x32xf32, #tpu.memory_space<hbm>>) dst(%arg7 : memref<1664x32xf32, #tpu.memory_space<vmem>>)
    %add3A_145 = arith.constant 9984 : i32
    %add3A_146 = arith.addi %mul3A_2, %add3A_145 : i32
    %dma_start3A_147 = arith.constant 0 : i32
    %dma_start3A_148 = tpu.memref_slice %arg4[%add3A_146, %dma_start3A_147] : memref<425984x32xf32, #tpu.memory_space<hbm>> -> memref<1664x32xf32, #tpu.memory_space<hbm>>
    %dma_start3A_149 = arith.constant 0 : i32
    %dma_start3A_150 = tpu.memref_slice %arg4[%add3A_146, %dma_start3A_149] : memref<425984x32xf32, #tpu.memory_space<hbm>> -> memref<1664x32xf32, #tpu.memory_space<hbm>>
    tpu.enqueue_dma source(%arg7 : memref<1664x32xf32, #tpu.memory_space<vmem>>) target(%dma_start3A_150 : memref<1664x32xf32, #tpu.memory_space<hbm>>) target_semaphore(%arg13 : memref<!tpu.dma_semaphore, #tpu.memory_space<semaphore_mem>>)
    %dma_wait3A_151 = arith.constant 0 : i32
    %dma_wait3A_152 = tpu.memref_slice %arg4[%add3A_124, %dma_wait3A_151] : memref<425984x32xf32, #tpu.memory_space<hbm>> -> memref<1664x32xf32, #tpu.memory_space<hbm>>
    %dma_wait3A_153 = arith.constant 0 : i32
    %dma_wait3A_154 = tpu.memref_slice %arg4[%add3A_124, %dma_wait3A_153] : memref<425984x32xf32, #tpu.memory_space<hbm>> -> memref<1664x32xf32, #tpu.memory_space<hbm>>
    tpu.wait_dma2 semaphore(%arg14 : memref<!tpu.dma_semaphore, #tpu.memory_space<semaphore_mem>>) src(%arg8 : memref<1664x32xf32, #tpu.memory_space<vmem>>) dst(%dma_wait3A_154 : memref<1664x32xf32, #tpu.memory_space<hbm>>)
    %dma_wait3A_155 = tpu.memref_slice %arg2[%add3A_139] : memref<425984xi32, #tpu.memory_space<hbm>> -> memref<1664xi32, #tpu.memory_space<hbm>>
    %dma_wait3A_156 = tpu.memref_slice %arg2[%add3A_139] : memref<425984xi32, #tpu.memory_space<hbm>> -> memref<1664xi32, #tpu.memory_space<hbm>>
    tpu.wait_dma2 semaphore(%arg10 : memref<!tpu.dma_semaphore, #tpu.memory_space<semaphore_mem>>) src(%dma_wait3A_156 : memref<1664xi32, #tpu.memory_space<hbm>>) dst(%arg6 : memref<1664xi32, #tpu.memory_space<vmem>>)
    %dma_start3A_157 = arith.constant 0 : i32
    %dma_start3A_158 = arith.constant 0 : i32
    %dma_start3A_159 = tpu.memref_slice %arg3[%dma_start3A_157, %dma_start3A_158] : memref<1000000x32xf32, #tpu.memory_space<hbm>> -> memref<1000000x32xf32, #tpu.memory_space<hbm>>
    tpu.enqueue_indirect_dma source(%dma_start3A_159 : memref<1000000x32xf32, #tpu.memory_space<hbm>>) target(%arg8 : memref<1664x32xf32, #tpu.memory_space<vmem>>) offsets(%arg6 : memref<1664xi32, #tpu.memory_space<vmem>>) semaphore(%arg12 : memref<!tpu.dma_semaphore, #tpu.memory_space<semaphore_mem>>)
    %dma_wait3A_160 = arith.constant 0 : i32
    %dma_wait3A_161 = arith.constant 0 : i32
    %dma_wait3A_162 = tpu.memref_slice %arg3[%dma_wait3A_160, %dma_wait3A_161] : memref<1000000x32xf32, #tpu.memory_space<hbm>> -> memref<1000000x32xf32, #tpu.memory_space<hbm>>
    tpu.wait_indirect_dma semaphore(%arg12 : memref<!tpu.dma_semaphore, #tpu.memory_space<semaphore_mem>>) src(%dma_wait3A_162 : memref<1000000x32xf32, #tpu.memory_space<hbm>>) dst(%arg8 : memref<1664x32xf32, #tpu.memory_space<vmem>>)
    %add3A_163 = arith.constant 11648 : i32
    %add3A_164 = arith.addi %mul3A_2, %add3A_163 : i32
    %dma_start3A_165 = arith.constant 0 : i32
    %dma_start3A_166 = tpu.memref_slice %arg4[%add3A_164, %dma_start3A_165] : memref<425984x32xf32, #tpu.memory_space<hbm>> -> memref<1664x32xf32, #tpu.memory_space<hbm>>
    %dma_start3A_167 = arith.constant 0 : i32
    %dma_start3A_168 = tpu.memref_slice %arg4[%add3A_164, %dma_start3A_167] : memref<425984x32xf32, #tpu.memory_space<hbm>> -> memref<1664x32xf32, #tpu.memory_space<hbm>>
    tpu.enqueue_dma source(%arg8 : memref<1664x32xf32, #tpu.memory_space<vmem>>) target(%dma_start3A_168 : memref<1664x32xf32, #tpu.memory_space<hbm>>) target_semaphore(%arg14 : memref<!tpu.dma_semaphore, #tpu.memory_space<semaphore_mem>>)
    %dma_wait3A_169 = arith.constant 0 : i32
    %dma_wait3A_170 = tpu.memref_slice %arg4[%add3A_146, %dma_wait3A_169] : memref<425984x32xf32, #tpu.memory_space<hbm>> -> memref<1664x32xf32, #tpu.memory_space<hbm>>
    %dma_wait3A_171 = arith.constant 0 : i32
    %dma_wait3A_172 = tpu.memref_slice %arg4[%add3A_146, %dma_wait3A_171] : memref<425984x32xf32, #tpu.memory_space<hbm>> -> memref<1664x32xf32, #tpu.memory_space<hbm>>
    tpu.wait_dma2 semaphore(%arg13 : memref<!tpu.dma_semaphore, #tpu.memory_space<semaphore_mem>>) src(%arg7 : memref<1664x32xf32, #tpu.memory_space<vmem>>) dst(%dma_wait3A_172 : memref<1664x32xf32, #tpu.memory_space<hbm>>)
    %dma_wait3A_173 = arith.constant 0 : i32
    %dma_wait3A_174 = tpu.memref_slice %arg4[%add3A_164, %dma_wait3A_173] : memref<425984x32xf32, #tpu.memory_space<hbm>> -> memref<1664x32xf32, #tpu.memory_space<hbm>>
    %dma_wait3A_175 = arith.constant 0 : i32
    %dma_wait3A_176 = tpu.memref_slice %arg4[%add3A_164, %dma_wait3A_175] : memref<425984x32xf32, #tpu.memory_space<hbm>> -> memref<1664x32xf32, #tpu.memory_space<hbm>>
    tpu.wait_dma2 semaphore(%arg14 : memref<!tpu.dma_semaphore, #tpu.memory_space<semaphore_mem>>) src(%arg8 : memref<1664x32xf32, #tpu.memory_space<vmem>>) dst(%dma_wait3A_176 : memref<1664x32xf32, #tpu.memory_space<hbm>>)
    return
  }
}

</mosaic_0001>

<sc_bundles>
// kernel: kernel.3.cloned.1.call-start
scs
__scs_entry_jumppad:
0x0: {  	(pc) =	sbr.rel $0x88, $3  }
0x1: {  	(tag) =	ssettag $0x0;
	lr =	simm.s32 $0x1  }
0x2: {  	[smem:$0x3F9F] =	sst lr;
	_ =	strace $0xD0000000  }
0x3: {  	_ = 	snop  }
0x4: {  	_ = 	snop  }
0x5: {  	_ = 	snop  }
0x6: {  	_ = 	snop  }
0x7: {  	_ = 	snop  }
__scs_overlays_trampoline_lowered:
0x8: {  	[smem:$0x3FAE] =	sst s0  }
0x9: {  	[smem:$0x3FAF] =	sst s1  }
0xa: {  	[smem:$0x3FB0] =	sst s2  }
0xb: {  	[smem:$0x3FB1] =	sst s3  }
0xc: {  	[smem:$0x3FB2] =	sst s4  }
0xd: {  	[smem:$0x3FB3] =	sst s5  }
0xe: {  	[smem:$0x3FB4] =	sst s6  }
0xf: {  	[smem:$0x3FB5] =	sst s7  }
0x10: {  	[smem:$0x3FB6] =	sst s8  }
0x11: {  	[smem:$0x3FB7] =	sst s9;
	s0 =	simm.s32 @!p0 $0x0  }
0x12: {  	s1 =	sld [smem:$0x3F9D];
	s0 =	simm.s32 @p0 $0x1  }
0x13: {  	[smem:$0x3FB8] =	sst s0;
	s0 =	simm.s32 @!p1 $0x0  }
0x14: {  	s2 =	sld [smem:$0x3F9C];
	s0 =	simm.s32 @p1 $0x1  }
0x15: {  	[smem:$0x3FB9] =	sst s0;
	s0 =	simm.s32 @!p2 $0x0  }
0x16: {  	s3 =	sld [smem:$0x3FDB];
	s0 =	simm.s32 @p2 $0x1  }
0x17: {  	s4 =	simm.s32 $0x1BF5;
	[smem:$0x3FBB] =	sst s0  }
0x18: {  	s0 =	sld [smem:$0x3F9E];
	_ =	swait.ge [sflag:s4], $0x0  }
0x19: {  	s7 =	sld [smem:$0x3F9F]  }
0x1a: {  	s8 =	sadd.s32 $0xFFFFE003, lr  }
0x1b: {  	s9 =	sadd.s32 $0xFFFFFEF7, lr;
	s5 =	simm.s32 $0xFFFFFFFF;
	p2 =	slt.u32 s8, $0xFFFFF086  }
0x1c: {  	p1 =	slt.u32 s9, $0xF7A;
	s5 =	simm.s32 @!p2 $0x0  }
0x1d: {  	s5 =	simm.s32 @p1 $0x1;
	p0 =	seq.s32 s7, s2  }
0x1e: {  	s7 =	smul.u32 @!p0 $0xF7A, s2;
	p2 =	seq.s32 @!p0 s5, $0x0  }
0x1f: {  	s9 =	smul.u32 $0xF7A, s1;
	s8 =	simm.s32 @!p0 $0x1BF5;
	p2 =	por !p2, p0  }
0x20: {  	[sflag:s8] =	ssyncset.s32 @!p0 $0xFFFFF086;
	s6 =	sadd.s32 @!p0 s3, s7;
	s7 =	simm.s32 @!p0 $0x108  }
0x21: {  	s3 =	sadd.s32 s3, s9;
	s6 =	sadd.s32 @!p0 $0x88, s6;
	s7 =	simm.s32 @p2 $0x1082  }
0x22: {  	[simem:s7], [sflag:s8] =	dma.local @!p0 [hbm:s6], $0xF7A  }
0x23: {  	s9 =	sor.u32 $0xD0000000, s2;
	s6 =	simm.s32 $0x108;
	_ =	swait.ge @!p0 [sflag:s8], $0x0  }
0x24: {  	s3 =	sadd.s32 $0x88, s3;
	s6 =	simm.s32 @!p1 $0x1082;
	[sflag:s4] =	ssyncset.s32 $0xFFFFF086  }
0x25: {  	[simem:s6], [sflag:s4] =	dma.local [hbm:s3], $0xF7A  }
0x26: {  	[smem:$0x3F9F] =	sst s1;
	(tag) =	ssettag s2;
	_ =	strace s9  }
0x27: {  	s1 =	sld [smem:$0x3FAF]  }
0x28: {  	s2 =	sld [smem:$0x3FB0]  }
0x29: {  	s4 =	sld [smem:$0x3FB2]  }
0x2a: {  	p0 =	seq.s32 s5, $0x0;
	s5 =	sld [smem:$0x3FB3]  }
0x2b: {  	s6 =	sld [smem:$0x3FB4]  }
0x2c: {  	s7 =	sld [smem:$0x3FB5]  }
0x2d: {  	s3 =	simm.s32 $0x108;
	s8 =	sld [smem:$0x3FB6]  }
0x2e: {  	s3 =	simm.s32 @!p0 $0x1082;
	s9 =	sld [smem:$0x3FB7]  }
0x2f: {  	lr =	sadd.s32 s0, s3;
	s0 =	sld [smem:$0x3FAE]  }
0x30: {  	s3 =	sld [smem:$0x3FB1]  }
0x31: {  	[smem:$0x3FBA] =	sst s10  }
0x32: {  	s10 =	sld [smem:$0x3FB8];
	_ =	sdelay $0x3  }
0x33: {  	p0 =	seq.s32 s10, $0x1;
	s10 =	sld [smem:$0x3FBA];
	_ =	sdelay $0x3  }
0x34: {  	[smem:$0x3FBA] =	sst s10  }
0x35: {  	s10 =	sld [smem:$0x3FB9];
	_ =	sdelay $0x3  }
0x36: {  	p1 =	seq.s32 s10, $0x1;
	s10 =	sld [smem:$0x3FBA];
	_ =	sdelay $0x3  }
0x37: {  	[smem:$0x3FBA] =	sst s10  }
0x38: {  	s10 =	sld [smem:$0x3FBB]  }
0x39: {  	_ = 	snop;
	(pc) =	sbr.ind lr, $3  }
0x3a: {  	_ = 	snop  }
0x3b: {  	_ = 	snop  }
0x3c: {  	p2 =	seq.s32 s10, $0x1;
	s10 =	sld [smem:$0x3FBA]  }
0x3d: {  	_ =	shalt  }
0x3e: {  	_ =	shalt  }
0x3f: {  	_ =	shalt  }
0x40: {  	_ =	shalt  }
0x41: {  	_ =	shalt  }
0x42: {  	_ =	shalt  }
0x43: {  	_ =	shalt  }
0x44: {  	_ =	shalt  }
0x45: {  	_ =	shalt  }
0x46: {  	_ =	shalt  }
0x47: {  	_ =	shalt  }
0x48: {  	_ =	shalt  }
0x49: {  	_ =	shalt  }
0x4a: {  	_ =	shalt  }
0x4b: {  	_ =	shalt  }
0x4c: {  	_ =	shalt  }
0x4d: {  	_ =	shalt  }
0x4e: {  	_ =	shalt  }
0x4f: {  	_ =	shalt  }
0x50: {  	_ =	shalt  }
0x51: {  	_ =	shalt  }
0x52: {  	_ =	shalt  }
0x53: {  	_ =	shalt  }
0x54: {  	_ =	shalt  }
0x55: {  	_ =	shalt  }
0x56: {  	_ =	shalt  }
0x57: {  	_ =	shalt  }
0x58: {  	_ =	shalt  }
0x59: {  	_ =	shalt  }
0x5a: {  	_ =	shalt  }
0x5b: {  	_ =	shalt  }
0x5c: {  	_ =	shalt  }
0x5d: {  	_ =	shalt  }
0x5e: {  	_ =	shalt  }
0x5f: {  	_ =	shalt  }
0x60: {  	_ =	shalt  }
0x61: {  	_ =	shalt  }
0x62: {  	_ =	shalt  }
0x63: {  	_ =	shalt  }
0x64: {  	_ =	shalt  }
0x65: {  	_ =	shalt  }
0x66: {  	_ =	shalt  }
0x67: {  	_ =	shalt  }
0x68: {  	_ =	shalt  }
0x69: {  	_ =	shalt  }
0x6a: {  	_ =	shalt  }
0x6b: {  	_ =	shalt  }
0x6c: {  	_ =	shalt  }
0x6d: {  	_ =	shalt  }
0x6e: {  	_ =	shalt  }
0x6f: {  	_ =	shalt  }
0x70: {  	_ =	shalt  }
0x71: {  	_ =	shalt  }
0x72: {  	_ =	shalt  }
0x73: {  	_ =	shalt  }
0x74: {  	_ =	shalt  }
0x75: {  	_ =	shalt  }
0x76: {  	_ =	shalt  }
0x77: {  	_ =	shalt  }
0x78: {  	_ =	shalt  }
0x79: {  	_ =	shalt  }
0x7a: {  	_ =	shalt  }
0x7b: {  	_ =	shalt  }
0x7c: {  	_ =	shalt  }
0x7d: {  	_ =	shalt  }
0x7e: {  	_ =	shalt  }
0x7f: {  	_ =	shalt  }
0x80: {  	_ =	shalt  }
0x81: {  	_ =	shalt  }
0x82: {  	_ =	shalt  }
0x83: {  	_ =	shalt  }
0x84: {  	_ =	shalt  }
0x85: {  	_ =	shalt  }
0x86: {  	_ =	shalt  }
0x87: {  	_ =	shalt  }
.Lfunc_end0:
.L_simem_size_0:
called_computation.1_lowered:
.L_overlay_start_0:
0x88: {  	s2 =	sld [smem:$0x3FD9]  }
0x89: {  	s3 =	sld [smem:$0x3FFE];
	_ =	sdelay $0x1  }
0x8a: {  	s1 =	srdreg.scid  }
0x8b: {  	s0 =	sand.u32 $0x1, s1  }
0x8c: {  	s17 =	sshll.u32 s0, $0xA;
	s2 =	sadd.s32 s3, s2  }
0x8d: {  	s2 =	sadd.s32 s2, s17  }
0x8e: {  	[smem:$0x3FC6] =	sst s2  }
0x8f: {  	_ = 	snop  }
0x90: {  	s2 =	sld [smem:$0x3FD0];
	(tm) =	ssettm $0x1  }
0x91: {  	s18 =	sld [smem:$0x3FFB];
	_ =	sdelay $0x3  }
0x92: {  	_ =	strace s18  }
0x93: {  	s3 =	sld [smem:$0x3FFC];
	_ =	sdelay $0x3  }
0x94: {  	_ =	strace s3  }
0x95: {  	s3 =	sld [smem:$0x3FFD];
	_ =	sdelay $0x3  }
0x96: {  	_ =	strace s3  }
0x97: {  	_ =	strace $0x8FFFFFFF  }
0x98: {  	s19 =	sld [smem:$0x3FDB];
	_ =	sdelay $0x1  }
0x99: {  	s4 =	simm.s32 $_scs_section_size  }
0x9a: {  	s5 =	simm.s32 $_size__tile_overlayer_lowered;
	s6 =	simm.s32 $_tile_overlayer_lowered  }
0x9b: {  	s22 =	simm.s32 $0x1BFF;
	s21 =	sshll.u32 s6, $0x1;
	s3 =	sadd.s32 s4, s19  }
0x9c: {  	s7 =	simm.s32 $0x0;
	s20 =	sshll.u32 s5, $0x1;
	s5 =	sadd.s32 s21, s3  }
0x9d: {  	[timem:s7], [sflag:s22] =	dma.local [hbm:s5], s20  }
0x9e: {  	_ =	swait.ge [sflag:s22], s20  }
0x9f: {  	s4 =	ssub.s32 $0x0, s20;
	[sflag:s22] =	ssyncset.done $0x0  }
0xa0: {  	[sflag:s22] =	ssyncadd.s32 s4;
	_ =	sdelay $0x1  }
0xa1: {  	s23 =	simm.s32 $0x1B8B  }
0xa2: {  	_ =	swait.ge [sflag:s23], $0x1  }
0xa3: {  	[sflag:s23] =	ssyncset.done $0x0  }
0xa4: {  	s25 =	simm.s32 $0x1B8E;
	s24 =	sld [smem:$0x3FFE];
	[sflag:s23] =	ssyncadd.s32 $0xFFFFFFFF  }
0xa5: {  	s26 =	simm.s32 $execute0_lowered;
	[smem:$0x3FD2] =	sst s25  }
0xa6: {  	s5 =	sshll.u32 s26, $0x1;
	_ =	strace $0x80000046;
	[dreg:$0x1] =	wrdreg $0xFFFFFFFF  }
0xa7: {  	s28 =	simm.s32 $_size_execute0_lowered;
	s3 =	sadd.s32 s3, s5;
	[dreg:$0x0] =	wrdreg $0x0  }
0xa8: {  	s5 =	sshll.u32 s28, $0x1;
	[dreg:$0x2] =	wrdreg s3  }
0xa9: {  	[dreg:$0x3] =	wrdreg s5  }
0xaa: {  	[dreg:$0x4] =	wrdreg $0xC0  }
0xab: {  	_ =	task [dreg:s7], $0x5FFFF  }
0xac: {  	[dreg:$0x1] =	wrdreg $0xFFFFFFFF  }
0xad: {  	[dreg:$0x0] =	wrdreg $0x60  }
0xae: {  	[dreg:$0x2] =	wrdreg s24  }
0xaf: {  	[dreg:$0x3] =	wrdreg s2  }
0xb0: {  	[dreg:$0x4] =	wrdreg $0x9  }
0xb1: {  	_ =	task.clear_ibuf [dreg:s7], $0x5FFFF;
	_ =	strace $0x90000046  }
0xb2: {  	s29 =	simm.s32 $0x9;
	_ =	strace $0x80000048  }
0xb3: {  	_ =	swait.ge [sflag:s29], $0x1  }
0xb4: {  	[sflag:s29] =	ssyncadd.s32 $0xFFFFFFFF  }
0xb5: {  	_ =	strace $0x90000048  }
0xb6: {  	_ =	sfence  }
0xb7: {  	s30 =	sld [smem:$0x0];
	_ =	sdelay $0x2  }
0xb8: {  	s31 =	sshll.u32 s1, $0xD;
	s1 =	sshrl.u32 s1, $0x2  }
0xb9: {  	s3 =	sand.u32 $0x4000, s31;
	s1 =	sadd.s32 s1, s30  }
0xba: {  	s0 =	sor.u32 s3, s0;
	s1 =	sshll.u32 s1, $0x11  }
0xbb: {  	s0 =	sor.u32 s1, s0  }
0xbc: {  	s0 =	sadd.s32 $0x8F2B, s0  }
0xbd: {  	[sflag:s0] =	ssyncadd.remote.s32 $0x1  }
0xbe: {  	_ =	sfence.sel $0xFFFF  }
0xbf: {  	[dreg:$0x0] =	wrdreg $0xFFFFFFFF;
	(pc) =	sbr.abs _section_cstart, $3  }
0xc0: {  	[dreg:$0x1] =	wrdreg $0xFFFFFFFF  }
0xc1: {  	_ =	task.clear_ibuf [dreg:s7], $0x2FFFF;
	_ =	strace $0x9FFFFFFF  }
0xc2: {  	(tm) =	ssettm $0x7FFFFFFF  }
0xc3: {  	_ =	shalt  }
tec
execute0_lowered:
.L_overlay_start_1:
0x0: {  	(tag) =	ssettag $0x1  }
0x1: {  	s1 =	srdreg.scid;
	s0 =	stileid.u32  }
0x2: {  	s30 =	sand.u32 $0x1, s1;
	s26 =	sshll.u32 s0, $0x1  }
0x3: {  	s7 =	rddreg [dreg:$0x0];
	s10 =	sor.u32 s30, s26  }
0x4: {  	s29 =	rddreg [dreg:$0x1];
	s2 =	simm.s32 $0x0;
	s28 =	smul.u32 $0x3400, s10  }
0x5: {  	[smem:$0x7FF] =	sst s2  }
0x6: {  	s26 =	sadd.s32 $0xA00, s7;
	s3 =	sshrl.u32 s28, $0x3;
	s15 =	sadd.s32 $0x680, s28  }
0x7: {  	_ =	strace $0x80000047;
	s3 =	sadd.s32 s26, s3;
	s4 =	sshrl.u32 s15, $0x3  }
0x8: {  	[tilespmem:s2], [sflag:$0x1] =	stream.linear.gather [hbm4b:s3+s2], $0x680, $0x38;
	[tilespmem:$0x1AD00] =	vst v63  }
0x9: {  	s5 =	simm.s32 $0x680;
	s6 =	simm.s32 $0x1;
	s4 =	sadd.s32 s26, s4  }
0xa: {  	[tilespmem:s5], [sflag:$0x2] =	stream.linear.gather [hbm4b:s4+s2], $0x680, $0x38;
	[tilespmem:$0x1AD00] =	vst v63  }
0xb: {  	_ =	swait.ge [sflag:s6], $0x680  }
0xc: {  	s8 =	simm.s32 $0xD00;
	[sflag:s6] =	ssyncset.done $0x0  }
0xd: {  	s9 =	simm.s32 $0x3;
	s7 =	sadd.s32 $0xF42E00, s7;
	[sflag:s6] =	ssyncadd.s32 $0xFFFFF980  }
0xe: {  	[tilespmem:s8], [sflag:$0x3] =	stream.indirect.gather [hbm4b:s7+s5], $0x20, s2, s5, $0xb8;
	[tilespmem:$0x1AD00] =	vst v63  }
0xf: {  	s10 =	smul.u32 $0xD000, s10;
	_ =	swait.ge [sflag:s9], $0xD000  }
0x10: {  	[sflag:s9] =	ssyncset.done $0x0  }
0x11: {  	s11 =	simm.s32 $0x2;
	s10 =	sadd.s32 s29, s10;
	[sflag:s9] =	ssyncadd.s32 $0xFFFF3000  }
0x12: {  	[hbm4b:s10+s2] =	stream.linear.scatter [tilespmem:s8], [sflag:$0x5], $0xD000, $0x38;
	[tilespmem:$0x1AD00] =	vst v63  }
0x13: {  	_ =	swait.ge [sflag:s11], $0x680  }
0x14: {  	s18 =	sadd.s32 $0xD00, s28;
	[sflag:s11] =	ssyncset.done $0x0  }
0x15: {  	s12 =	simm.s32 $0xDD00;
	s13 =	sshrl.u32 s18, $0x3;
	[sflag:s11] =	ssyncadd.s32 $0xFFFFF980  }
0x16: {  	[tilespmem:s12], [sflag:$0x4] =	stream.indirect.gather [hbm4b:s7+s5], $0x20, s5, s5, $0xb8;
	[tilespmem:$0x1AD00] =	vst v63  }
0x17: {  	s14 =	simm.s32 $0x4;
	s13 =	sadd.s32 s26, s13  }
0x18: {  	[tilespmem:s2], [sflag:$0x1] =	stream.linear.gather [hbm4b:s13+s2], $0x680, $0x38;
	[tilespmem:$0x1AD00] =	vst v63  }
0x19: {  	_ =	swait.ge [sflag:s14], $0xD000  }
0x1a: {  	s15 =	sshll.u32 s15, $0x2;
	[sflag:s14] =	ssyncset.done $0x0  }
0x1b: {  	s16 =	simm.s32 $0x5;
	s15 =	sadd.s32 s29, s15;
	[sflag:s14] =	ssyncadd.s32 $0xFFFF3000  }
0x1c: {  	[hbm4b:s15+s2] =	stream.linear.scatter [tilespmem:s12], [sflag:$0x6], $0xD000, $0x38;
	[tilespmem:$0x1AD00] =	vst v63  }
0x1d: {  	_ =	swait.ge [sflag:s16], $0xD000  }
0x1e: {  	[sflag:s16] =	ssyncset.done $0x0  }
0x1f: {  	[sflag:s16] =	ssyncadd.s32 $0xFFFF3000  }
0x20: {  	_ =	swait.ge [sflag:s6], $0x680  }
0x21: {  	s21 =	sadd.s32 $0x1380, s28;
	[sflag:s6] =	ssyncset.done $0x0  }
0x22: {  	s17 =	sshrl.u32 s21, $0x3;
	[sflag:s6] =	ssyncadd.s32 $0xFFFFF980  }
0x23: {  	[tilespmem:s8], [sflag:$0x3] =	stream.indirect.gather [hbm4b:s7+s5], $0x20, s2, s5, $0xb8;
	[tilespmem:$0x1AD00] =	vst v63  }
0x24: {  	s17 =	sadd.s32 s26, s17  }
0x25: {  	[tilespmem:s5], [sflag:$0x2] =	stream.linear.gather [hbm4b:s17+s2], $0x680, $0x38;
	[tilespmem:$0x1AD00] =	vst v63  }
0x26: {  	_ =	swait.ge [sflag:s9], $0xD000  }
0x27: {  	s18 =	sshll.u32 s18, $0x2;
	[sflag:s9] =	ssyncset.done $0x0  }
0x28: {  	s19 =	sadd.s32 s29, s18;
	s18 =	simm.s32 $0x6;
	[sflag:s9] =	ssyncadd.s32 $0xFFFF3000  }
0x29: {  	[hbm4b:s19+s2] =	stream.linear.scatter [tilespmem:s8], [sflag:$0x5], $0xD000, $0x38;
	[tilespmem:$0x1AD00] =	vst v63  }
0x2a: {  	_ =	swait.ge [sflag:s18], $0xD000  }
0x2b: {  	[sflag:s18] =	ssyncset.done $0x0  }
0x2c: {  	[sflag:s18] =	ssyncadd.s32 $0xFFFF3000  }
0x2d: {  	_ =	swait.ge [sflag:s11], $0x680  }
0x2e: {  	s23 =	sadd.s32 $0x1A00, s28;
	[sflag:s11] =	ssyncset.done $0x0  }
0x2f: {  	s20 =	sshrl.u32 s23, $0x3;
	[sflag:s11] =	ssyncadd.s32 $0xFFFFF980  }
0x30: {  	[tilespmem:s12], [sflag:$0x4] =	stream.indirect.gather [hbm4b:s7+s5], $0x20, s5, s5, $0xb8;
	[tilespmem:$0x1AD00] =	vst v63  }
0x31: {  	s20 =	sadd.s32 s26, s20  }
0x32: {  	[tilespmem:s2], [sflag:$0x1] =	stream.linear.gather [hbm4b:s20+s2], $0x680, $0x38;
	[tilespmem:$0x1AD00] =	vst v63  }
0x33: {  	_ =	swait.ge [sflag:s14], $0xD000  }
0x34: {  	s21 =	sshll.u32 s21, $0x2;
	[sflag:s14] =	ssyncset.done $0x0  }
0x35: {  	s21 =	sadd.s32 s29, s21;
	[sflag:s14] =	ssyncadd.s32 $0xFFFF3000  }
0x36: {  	[hbm4b:s21+s2] =	stream.linear.scatter [tilespmem:s12], [sflag:$0x6], $0xD000, $0x38;
	[tilespmem:$0x1AD00] =	vst v63  }
0x37: {  	_ =	swait.ge [sflag:s16], $0xD000  }
0x38: {  	[sflag:s16] =	ssyncset.done $0x0  }
0x39: {  	[sflag:s16] =	ssyncadd.s32 $0xFFFF3000  }
0x3a: {  	_ =	swait.ge [sflag:s6], $0x680  }
0x3b: {  	s25 =	sadd.s32 $0x2080, s28;
	[sflag:s6] =	ssyncset.done $0x0  }
0x3c: {  	s22 =	sshrl.u32 s25, $0x3;
	[sflag:s6] =	ssyncadd.s32 $0xFFFFF980  }
0x3d: {  	[tilespmem:s8], [sflag:$0x3] =	stream.indirect.gather [hbm4b:s7+s5], $0x20, s2, s5, $0xb8;
	[tilespmem:$0x1AD00] =	vst v63  }
0x3e: {  	s22 =	sadd.s32 s26, s22  }
0x3f: {  	[tilespmem:s5], [sflag:$0x2] =	stream.linear.gather [hbm4b:s22+s2], $0x680, $0x38;
	[tilespmem:$0x1AD00] =	vst v63  }
0x40: {  	_ =	swait.ge [sflag:s9], $0xD000  }
0x41: {  	s23 =	sshll.u32 s23, $0x2;
	[sflag:s9] =	ssyncset.done $0x0  }
0x42: {  	s23 =	sadd.s32 s29, s23;
	[sflag:s9] =	ssyncadd.s32 $0xFFFF3000  }
0x43: {  	[hbm4b:s23+s2] =	stream.linear.scatter [tilespmem:s8], [sflag:$0x5], $0xD000, $0x38;
	[tilespmem:$0x1AD00] =	vst v63  }
0x44: {  	_ =	swait.ge [sflag:s18], $0xD000  }
0x45: {  	[sflag:s18] =	ssyncset.done $0x0  }
0x46: {  	[sflag:s18] =	ssyncadd.s32 $0xFFFF3000  }
0x47: {  	_ =	swait.ge [sflag:s11], $0x680  }
0x48: {  	s31 =	sadd.s32 $0x2700, s28;
	[sflag:s11] =	ssyncset.done $0x0  }
0x49: {  	s24 =	sshrl.u32 s31, $0x3;
	[sflag:s11] =	ssyncadd.s32 $0xFFFFF980  }
0x4a: {  	[tilespmem:s12], [sflag:$0x4] =	stream.indirect.gather [hbm4b:s7+s5], $0x20, s5, s5, $0xb8;
	[tilespmem:$0x1AD00] =	vst v63  }
0x4b: {  	s24 =	sadd.s32 s26, s24  }
0x4c: {  	[tilespmem:s2], [sflag:$0x1] =	stream.linear.gather [hbm4b:s24+s2], $0x680, $0x38;
	[tilespmem:$0x1AD00] =	vst v63  }
0x4d: {  	_ =	swait.ge [sflag:s14], $0xD000  }
0x4e: {  	s25 =	sshll.u32 s25, $0x2;
	[sflag:s14] =	ssyncset.done $0x0  }
0x4f: {  	s25 =	sadd.s32 s29, s25;
	[sflag:s14] =	ssyncadd.s32 $0xFFFF3000  }
0x50: {  	[hbm4b:s25+s2] =	stream.linear.scatter [tilespmem:s12], [sflag:$0x6], $0xD000, $0x38;
	[tilespmem:$0x1AD00] =	vst v63  }
0x51: {  	_ =	swait.ge [sflag:s16], $0xD000  }
0x52: {  	[sflag:s16] =	ssyncset.done $0x0  }
0x53: {  	[sflag:s16] =	ssyncadd.s32 $0xFFFF3000  }
0x54: {  	_ =	swait.ge [sflag:s6], $0x680  }
0x55: {  	s1 =	sadd.s32 $0x2D80, s28;
	[sflag:s6] =	ssyncset.done $0x0  }
0x56: {  	s28 =	sshrl.u32 s1, $0x3;
	[sflag:s6] =	ssyncadd.s32 $0xFFFFF980  }
0x57: {  	[tilespmem:s8], [sflag:$0x3] =	stream.indirect.gather [hbm4b:s7+s5], $0x20, s2, s5, $0xb8;
	[tilespmem:$0x1AD00] =	vst v63  }
0x58: {  	s26 =	sadd.s32 s26, s28  }
0x59: {  	[tilespmem:s5], [sflag:$0x2] =	stream.linear.gather [hbm4b:s26+s2], $0x680, $0x38;
	[tilespmem:$0x1AD00] =	vst v63  }
0x5a: {  	_ =	swait.ge [sflag:s9], $0xD000  }
0x5b: {  	s28 =	sshll.u32 s31, $0x2;
	[sflag:s9] =	ssyncset.done $0x0  }
0x5c: {  	s28 =	sadd.s32 s29, s28;
	[sflag:s9] =	ssyncadd.s32 $0xFFFF3000  }
0x5d: {  	[hbm4b:s28+s2] =	stream.linear.scatter [tilespmem:s8], [sflag:$0x5], $0xD000, $0x38;
	[tilespmem:$0x1AD00] =	vst v63  }
0x5e: {  	_ =	swait.ge [sflag:s18], $0xD000  }
0x5f: {  	[sflag:s18] =	ssyncset.done $0x0  }
0x60: {  	[sflag:s18] =	ssyncadd.s32 $0xFFFF3000  }
0x61: {  	_ =	swait.ge [sflag:s11], $0x680  }
0x62: {  	s31 =	ssub.s32 $0x2, s30;
	[sflag:s11] =	ssyncset.done $0x0  }
0x63: {  	s1 =	sshll.u32 s1, $0x2;
	s30 =	sshrl.u32 s31, $0x1;
	[sflag:s11] =	ssyncadd.s32 $0xFFFFF980  }
0x64: {  	[tilespmem:s12], [sflag:$0x4] =	stream.indirect.gather [hbm4b:s7+s5], $0x20, s5, s5, $0xb8;
	[tilespmem:$0x1AD00] =	vst v63  }
0x65: {  	s29 =	sadd.s32 s29, s1;
	s1 =	ssub.s32 s31, s30;
	_ =	swait.ge [sflag:s14], $0xD000  }
0x66: {  	s1 =	smax.u32 s1, $0x1;
	[sflag:s14] =	ssyncset.done $0x0  }
0x67: {  	p0 =	sne.s32 s1, $0x1;
	[sflag:s14] =	ssyncadd.s32 $0xFFFF3000  }
0x68: {  	[hbm4b:s29+s2] =	stream.linear.scatter [tilespmem:s12], [sflag:$0x6], $0xD000, $0x38;
	[tilespmem:$0x1AD00] =	vst v63  }
.Ltmp0:
0x69: {  	_ =	swait.ge [sflag:s16], $0xD000;
	(pc) =	sbr.rel @!p0 .LBB2_2-.Ltmp0, $4  }
0x6a: {  	[sflag:s16] =	ssyncset.done $0x0  }
0x6b: {  	[sflag:s16] =	ssyncadd.s32 $0xFFFF3000  }
0x6c: {  	_ =	swait.ge [sflag:s18], $0xD000  }
0x6d: {  	s30 =	sadd.s32 $0xFFFFFFFF, s1;
	[sflag:s18] =	ssyncset.done $0x0  }
.LBB2_1:
0x6e: {  	p0 =	sne.s32 s30, $0x1;
	s30 =	sadd.s32 $0xFFFFFFFF, s30;
	[sflag:s18] =	ssyncadd.s32 $0xFFFF3000  }
0x6f: {  	[tilespmem:s2], [sflag:$0x1] =	stream.linear.gather [hbm4b:s3+s2], $0x680, $0x38;
	[tilespmem:$0x1AD00] =	vst v63  }
0x70: {  	_ = 	snop  }
0x71: {  	[tilespmem:s5], [sflag:$0x2] =	stream.linear.gather [hbm4b:s4+s2], $0x680, $0x38;
	[tilespmem:$0x1AD00] =	vst v63  }
0x72: {  	_ =	swait.ge [sflag:s6], $0x680  }
0x73: {  	[sflag:s6] =	ssyncset.done $0x0  }
0x74: {  	[sflag:s6] =	ssyncadd.s32 $0xFFFFF980  }
0x75: {  	[tilespmem:s8], [sflag:$0x3] =	stream.indirect.gather [hbm4b:s7+s5], $0x20, s2, s5, $0xb8;
	[tilespmem:$0x1AD00] =	vst v63  }
0x76: {  	_ =	swait.ge [sflag:s9], $0xD000  }
0x77: {  	[sflag:s9] =	ssyncset.done $0x0  }
0x78: {  	[sflag:s9] =	ssyncadd.s32 $0xFFFF3000  }
0x79: {  	[hbm4b:s10+s2] =	stream.linear.scatter [tilespmem:s8], [sflag:$0x5], $0xD000, $0x38;
	[tilespmem:$0x1AD00] =	vst v63  }
0x7a: {  	_ =	swait.ge [sflag:s11], $0x680  }
0x7b: {  	[sflag:s11] =	ssyncset.done $0x0  }
0x7c: {  	[sflag:s11] =	ssyncadd.s32 $0xFFFFF980  }
0x7d: {  	[tilespmem:s12], [sflag:$0x4] =	stream.indirect.gather [hbm4b:s7+s5], $0x20, s5, s5, $0xb8;
	[tilespmem:$0x1AD00] =	vst v63  }
0x7e: {  	_ = 	snop  }
0x7f: {  	[tilespmem:s2], [sflag:$0x1] =	stream.linear.gather [hbm4b:s13+s2], $0x680, $0x38;
	[tilespmem:$0x1AD00] =	vst v63  }
0x80: {  	_ =	swait.ge [sflag:s14], $0xD000  }
0x81: {  	[sflag:s14] =	ssyncset.done $0x0  }
0x82: {  	[sflag:s14] =	ssyncadd.s32 $0xFFFF3000  }
0x83: {  	[hbm4b:s15+s2] =	stream.linear.scatter [tilespmem:s12], [sflag:$0x6], $0xD000, $0x38;
	[tilespmem:$0x1AD00] =	vst v63  }
0x84: {  	_ =	swait.ge [sflag:s16], $0xD000  }
0x85: {  	[sflag:s16] =	ssyncset.done $0x0  }
0x86: {  	[sflag:s16] =	ssyncadd.s32 $0xFFFF3000  }
0x87: {  	_ =	swait.ge [sflag:s6], $0x680  }
0x88: {  	[sflag:s6] =	ssyncset.done $0x0  }
0x89: {  	[sflag:s6] =	ssyncadd.s32 $0xFFFFF980  }
0x8a: {  	[tilespmem:s8], [sflag:$0x3] =	stream.indirect.gather [hbm4b:s7+s5], $0x20, s2, s5, $0xb8;
	[tilespmem:$0x1AD00] =	vst v63  }
0x8b: {  	_ = 	snop  }
0x8c: {  	[tilespmem:s5], [sflag:$0x2] =	stream.linear.gather [hbm4b:s17+s2], $0x680, $0x38;
	[tilespmem:$0x1AD00] =	vst v63  }
0x8d: {  	_ =	swait.ge [sflag:s9], $0xD000  }
0x8e: {  	[sflag:s9] =	ssyncset.done $0x0  }
0x8f: {  	[sflag:s9] =	ssyncadd.s32 $0xFFFF3000  }
0x90: {  	[hbm4b:s19+s2] =	stream.linear.scatter [tilespmem:s8], [sflag:$0x5], $0xD000, $0x38;
	[tilespmem:$0x1AD00] =	vst v63  }
0x91: {  	_ =	swait.ge [sflag:s18], $0xD000  }
0x92: {  	[sflag:s18] =	ssyncset.done $0x0  }
0x93: {  	[sflag:s18] =	ssyncadd.s32 $0xFFFF3000  }
0x94: {  	_ =	swait.ge [sflag:s11], $0x680  }
0x95: {  	[sflag:s11] =	ssyncset.done $0x0  }
0x96: {  	[sflag:s11] =	ssyncadd.s32 $0xFFFFF980  }
0x97: {  	[tilespmem:s12], [sflag:$0x4] =	stream.indirect.gather [hbm4b:s7+s5], $0x20, s5, s5, $0xb8;
	[tilespmem:$0x1AD00] =	vst v63  }
0x98: {  	_ = 	snop  }
0x99: {  	[tilespmem:s2], [sflag:$0x1] =	stream.linear.gather [hbm4b:s20+s2], $0x680, $0x38;
	[tilespmem:$0x1AD00] =	vst v63  }
0x9a: {  	_ =	swait.ge [sflag:s14], $0xD000  }
0x9b: {  	[sflag:s14] =	ssyncset.done $0x0  }
0x9c: {  	[sflag:s14] =	ssyncadd.s32 $0xFFFF3000  }
0x9d: {  	[hbm4b:s21+s2] =	stream.linear.scatter [tilespmem:s12], [sflag:$0x6], $0xD000, $0x38;
	[tilespmem:$0x1AD00] =	vst v63  }
0x9e: {  	_ =	swait.ge [sflag:s16], $0xD000  }
0x9f: {  	[sflag:s16] =	ssyncset.done $0x0  }
0xa0: {  	[sflag:s16] =	ssyncadd.s32 $0xFFFF3000  }
0xa1: {  	_ =	swait.ge [sflag:s6], $0x680  }
0xa2: {  	[sflag:s6] =	ssyncset.done $0x0  }
0xa3: {  	[sflag:s6] =	ssyncadd.s32 $0xFFFFF980  }
0xa4: {  	[tilespmem:s8], [sflag:$0x3] =	stream.indirect.gather [hbm4b:s7+s5], $0x20, s2, s5, $0xb8;
	[tilespmem:$0x1AD00] =	vst v63  }
0xa5: {  	_ = 	snop  }
0xa6: {  	[tilespmem:s5], [sflag:$0x2] =	stream.linear.gather [hbm4b:s22+s2], $0x680, $0x38;
	[tilespmem:$0x1AD00] =	vst v63  }
0xa7: {  	_ =	swait.ge [sflag:s9], $0xD000  }
0xa8: {  	[sflag:s9] =	ssyncset.done $0x0  }
0xa9: {  	[sflag:s9] =	ssyncadd.s32 $0xFFFF3000  }
0xaa: {  	[hbm4b:s23+s2] =	stream.linear.scatter [tilespmem:s8], [sflag:$0x5], $0xD000, $0x38;
	[tilespmem:$0x1AD00] =	vst v63  }
0xab: {  	_ =	swait.ge [sflag:s18], $0xD000  }
0xac: {  	[sflag:s18] =	ssyncset.done $0x0  }
0xad: {  	[sflag:s18] =	ssyncadd.s32 $0xFFFF3000  }
0xae: {  	_ =	swait.ge [sflag:s11], $0x680  }
0xaf: {  	[sflag:s11] =	ssyncset.done $0x0  }
0xb0: {  	[sflag:s11] =	ssyncadd.s32 $0xFFFFF980  }
0xb1: {  	[tilespmem:s12], [sflag:$0x4] =	stream.indirect.gather [hbm4b:s7+s5], $0x20, s5, s5, $0xb8;
	[tilespmem:$0x1AD00] =	vst v63  }
0xb2: {  	_ = 	snop  }
0xb3: {  	[tilespmem:s2], [sflag:$0x1] =	stream.linear.gather [hbm4b:s24+s2], $0x680, $0x38;
	[tilespmem:$0x1AD00] =	vst v63  }
0xb4: {  	_ =	swait.ge [sflag:s14], $0xD000  }
0xb5: {  	[sflag:s14] =	ssyncset.done $0x0  }
0xb6: {  	[sflag:s14] =	ssyncadd.s32 $0xFFFF3000  }
0xb7: {  	[hbm4b:s25+s2] =	stream.linear.scatter [tilespmem:s12], [sflag:$0x6], $0xD000, $0x38;
	[tilespmem:$0x1AD00] =	vst v63  }
0xb8: {  	_ =	swait.ge [sflag:s16], $0xD000  }
0xb9: {  	[sflag:s16] =	ssyncset.done $0x0  }
0xba: {  	[sflag:s16] =	ssyncadd.s32 $0xFFFF3000  }
0xbb: {  	_ =	swait.ge [sflag:s6], $0x680  }
0xbc: {  	[sflag:s6] =	ssyncset.done $0x0  }
0xbd: {  	[sflag:s6] =	ssyncadd.s32 $0xFFFFF980  }
0xbe: {  	[tilespmem:s8], [sflag:$0x3] =	stream.indirect.gather [hbm4b:s7+s5], $0x20, s2, s5, $0xb8;
	[tilespmem:$0x1AD00] =	vst v63  }
0xbf: {  	_ = 	snop  }
0xc0: {  	[tilespmem:s5], [sflag:$0x2] =	stream.linear.gather [hbm4b:s26+s2], $0x680, $0x38;
	[tilespmem:$0x1AD00] =	vst v63  }
0xc1: {  	_ =	swait.ge [sflag:s9], $0xD000  }
0xc2: {  	[sflag:s9] =	ssyncset.done $0x0  }
0xc3: {  	[sflag:s9] =	ssyncadd.s32 $0xFFFF3000  }
0xc4: {  	[hbm4b:s28+s2] =	stream.linear.scatter [tilespmem:s8], [sflag:$0x5], $0xD000, $0x38;
	[tilespmem:$0x1AD00] =	vst v63  }
0xc5: {  	_ =	swait.ge [sflag:s18], $0xD000  }
0xc6: {  	[sflag:s18] =	ssyncset.done $0x0  }
0xc7: {  	[sflag:s18] =	ssyncadd.s32 $0xFFFF3000  }
0xc8: {  	_ =	swait.ge [sflag:s11], $0x680  }
0xc9: {  	[sflag:s11] =	ssyncset.done $0x0  }
0xca: {  	[sflag:s11] =	ssyncadd.s32 $0xFFFFF980  }
0xcb: {  	[tilespmem:s12], [sflag:$0x4] =	stream.indirect.gather [hbm4b:s7+s5], $0x20, s5, s5, $0xb8;
	[tilespmem:$0x1AD00] =	vst v63  }
0xcc: {  	_ =	swait.ge [sflag:s14], $0xD000  }
0xcd: {  	[sflag:s14] =	ssyncset.done $0x0  }
0xce: {  	[sflag:s14] =	ssyncadd.s32 $0xFFFF3000  }
0xcf: {  	[hbm4b:s29+s2] =	stream.linear.scatter [tilespmem:s12], [sflag:$0x6], $0xD000, $0x38;
	[tilespmem:$0x1AD00] =	vst v63  }
.Ltmp1:
0xd0: {  	_ =	swait.ge [sflag:s16], $0xD000;
	(pc) =	sbr.rel @p0 .LBB2_1-.Ltmp1, $4  }
0xd1: {  	[sflag:s16] =	ssyncset.done $0x0  }
0xd2: {  	[sflag:s16] =	ssyncadd.s32 $0xFFFF3000  }
0xd3: {  	_ =	swait.ge [sflag:s18], $0xD000  }
0xd4: {  	[sflag:s18] =	ssyncset.done $0x0  }
.LBB2_2:
0xd5: {  	[sflag:s18] =	ssyncadd.s32 $0xFFFF3000  }
0xd6: {  	_ =	sfence.sel $0x180000  }
0xd7: {  	[bflag:$0x0] =	sbarrier.arrive $0xFFFF  }
0xd8: {  	_ =	strace $0x90000047  }
0xd9: {  	[bflag:$0x2] =	sbarrier.arrive $0xFFFF  }
0xda: {  	p0 =	sne.s32 s0, $0x0;
	s0 =	rddreg [dreg:$0x2]  }
0xdb: {  	s0 =	sadd.s32 @!p0 $0x100000, s0  }
0xdc: {  	[sflag:s0] =	ssyncadd.tile.s32 @!p0 $0x1;
	_ =	shalt  }
.Lfunc_end2:
_tile_overlayer_lowered:
.L_overlay_start_2:
0xdd: {  	(tag) =	ssettag $0x2  }
0xde: {  	s0 =	rddreg [dreg:$0x0];
	s2 =	stileid.u32  }
0xdf: {  	s1 =	rddreg [dreg:$0x1];
	p0 =	sne.s32 s2, $0x0  }
0xe0: {  	s3 =	rddreg [dreg:$0x2];
	[bflag:$0x3] =	sbarrier.arrive $0xFFFF;
	s2 =	simm.s32 @!p0 $0x1C07  }
0xe1: {  	[timem:s3], [sflag:s2] =	dma.local @!p0 [hbm:s0], s1  }
0xe2: {  	s0 =	simm.s32 @!p0 $0x7  }
0xe3: {  	_ =	swait.ge @!p0 [sflag:s0], s1  }
0xe4: {  	s1 =	ssub.s32 @!p0 $0x0, s1;
	[sflag:s0] =	ssyncset.done @!p0 $0x0  }
0xe5: {  	[sflag:s0] =	ssyncadd.s32 @!p0 s1  }
0xe6: {  	[bflag:$0x3] =	sbarrier.arrive $0xFFFF  }
0xe7: {  	_ =	shalt  }

// kernel: sparse-core-data-format-call.cloned.1.call-start
scs
called_computation_lowered:
.L_overlay_start_0:
0x0: {  	s2 =	sld [smem:$0x3FD9]  }
0x1: {  	s3 =	sld [smem:$0x3FFE];
	_ =	sdelay $0x1  }
0x2: {  	s1 =	srdreg.scid  }
0x3: {  	s0 =	sand.u32 $0x1, s1  }
0x4: {  	s18 =	sshll.u32 s0, $0xA;
	s2 =	sadd.s32 s3, s2  }
0x5: {  	s2 =	sadd.s32 s2, s18  }
0x6: {  	[smem:$0x3FC6] =	sst s2  }
0x7: {  	_ = 	snop  }
0x8: {  	s2 =	sld [smem:$0x3FD0];
	(tm) =	ssettm $0x1  }
0x9: {  	s19 =	sld [smem:$0x3FFB];
	_ =	sdelay $0x3  }
0xa: {  	_ =	strace s19  }
0xb: {  	s3 =	sld [smem:$0x3FFC];
	_ =	sdelay $0x3  }
0xc: {  	_ =	strace s3  }
0xd: {  	s3 =	sld [smem:$0x3FFD];
	_ =	sdelay $0x3  }
0xe: {  	_ =	strace s3  }
0xf: {  	_ =	strace $0x8FFFFFFF  }
0x10: {  	s20 =	sld [smem:$0x3FDB];
	_ =	sdelay $0x1  }
0x11: {  	s4 =	simm.s32 $_scs_section_size  }
0x12: {  	s5 =	simm.s32 $_size__tile_overlayer_lowered;
	s6 =	simm.s32 $_tile_overlayer_lowered  }
0x13: {  	s23 =	simm.s32 $0x1BFF;
	s22 =	sshll.u32 s6, $0x1;
	s3 =	sadd.s32 s4, s20  }
0x14: {  	s7 =	simm.s32 $0x0;
	s21 =	sshll.u32 s5, $0x1;
	s5 =	sadd.s32 s22, s3  }
0x15: {  	[timem:s7], [sflag:s23] =	dma.local [hbm:s5], s21  }
0x16: {  	_ =	swait.ge [sflag:s23], s21  }
0x17: {  	s4 =	ssub.s32 $0x0, s21;
	[sflag:s23] =	ssyncset.done $0x0  }
0x18: {  	[sflag:s23] =	ssyncadd.s32 s4;
	_ =	sdelay $0x1  }
0x19: {  	s24 =	simm.s32 $0x1B8B  }
0x1a: {  	_ =	swait.ge [sflag:s24], $0x1  }
0x1b: {  	[sflag:s24] =	ssyncset.done $0x0  }
0x1c: {  	s26 =	simm.s32 $0x1B8E;
	s25 =	sld [smem:$0x3FFE];
	[sflag:s24] =	ssyncadd.s32 $0xFFFFFFFF  }
0x1d: {  	s27 =	simm.s32 $execute0_lowered;
	[smem:$0x3FD2] =	sst s26  }
0x1e: {  	s5 =	sshll.u32 s27, $0x1;
	_ =	strace $0x80000049;
	[dreg:$0x1] =	wrdreg $0xFFFFFFFF  }
0x1f: {  	s28 =	simm.s32 $_size_execute0_lowered;
	s3 =	sadd.s32 s3, s5;
	[dreg:$0x0] =	wrdreg $0x0  }
0x20: {  	s5 =	sshll.u32 s28, $0x1;
	[dreg:$0x2] =	wrdreg s3  }
0x21: {  	[dreg:$0x3] =	wrdreg s5  }
0x22: {  	[dreg:$0x4] =	wrdreg $0xC0  }
0x23: {  	_ =	task [dreg:s7], $0x5FFFF  }
0x24: {  	[dreg:$0x1] =	wrdreg $0xFFFFFFFF  }
0x25: {  	[dreg:$0x0] =	wrdreg $0x60  }
0x26: {  	[dreg:$0x2] =	wrdreg s25  }
0x27: {  	[dreg:$0x3] =	wrdreg s2  }
0x28: {  	[dreg:$0x4] =	wrdreg $0x9  }
0x29: {  	_ =	task.clear_ibuf [dreg:s7], $0x5FFFF;
	_ =	strace $0x90000049  }
0x2a: {  	s29 =	simm.s32 $0x9;
	_ =	strace $0x8000004B  }
0x2b: {  	_ =	swait.ge [sflag:s29], $0x1  }
0x2c: {  	[sflag:s29] =	ssyncadd.s32 $0xFFFFFFFF  }
0x2d: {  	_ =	strace $0x9000004B  }
0x2e: {  	_ =	sfence  }
0x2f: {  	s30 =	sld [smem:$0x0];
	_ =	sdelay $0x2  }
0x30: {  	s31 =	sshll.u32 s1, $0xD;
	s1 =	sshrl.u32 s1, $0x2  }
0x31: {  	s3 =	sand.u32 $0x4000, s31;
	s1 =	sadd.s32 s1, s30  }
0x32: {  	s0 =	sor.u32 s3, s0;
	s1 =	sshll.u32 s1, $0x11  }
0x33: {  	s0 =	sor.u32 s1, s0  }
0x34: {  	s0 =	sadd.s32 $0x8F2B, s0  }
0x35: {  	[sflag:s0] =	ssyncadd.remote.s32 $0x1  }
0x36: {  	_ =	sfence.sel $0xFFFF  }
0x37: {  	[dreg:$0x0] =	wrdreg $0xFFFFFFFF;
	(pc) =	sbr.abs _section_cstart, $3  }
0x38: {  	[dreg:$0x1] =	wrdreg $0xFFFFFFFF  }
0x39: {  	_ =	task.clear_ibuf [dreg:s7], $0x2FFFF;
	_ =	strace $0x9FFFFFFF  }
0x3a: {  	(tm) =	ssettm $0x7FFFFFFF  }
0x3b: {  	_ =	shalt  }
tec
execute0_lowered:
.L_overlay_start_1:
0x0: {  	(tag) =	ssettag $0x1  }
0x1: {  	s0 =	srdreg.scid  }
0x2: {  	s1 =	sshll.u32 s0, $0x4  }
0x3: {  	s0 =	stileid.u32;
	s1 =	sand.u32 $0x10, s1  }
0x4: {  	s1 =	sor.u32 s0, s1  }
0x5: {  	s6 =	rddreg [dreg:$0x0];
	s4 =	simm.s32 $0x1;
	s2 =	sshll.u32 s1, $0x7  }
0x6: {  	s7 =	simm.s32 $0x2;
	s12 =	simm.s32 $0x0;
	s1 =	ssub.s32 $0x4000, s2  }
0x7: {  	s8 =	simm.s32 $0x20000;
	s13 =	simm.s32 $0x0;
	s3 =	sand.u32 $0xF80, s1  }
0x8: {  	s9 =	simm.s32 $0x0;
	s5 =	sshrl.u32 s1, $0xC;
	p0 =	sne.s32 s3, $0x0  }
.Ltmp0:
0x9: {  	s1 =	rddreg [dreg:$0x2];
	s4 =	simm.s32 @!p0 $0x0;
	(pc) =	sbr.rel .LBB1_1-.Ltmp0, $4  }
0xa: {  	s11 =	simm.s32 $0x0;
	s3 =	rddreg [dreg:$0x1];
	s5 =	sadd.s32 s4, s5  }
0xb: {  	_ =	strace $0x8000004A;
	s4 =	simm.s32 $0x1;
	s5 =	smul.u32 $0x1A, s5  }
0xc: {  	s6 =	sadd.s32 $0xA00, s6;
	s10 =	smov.u32 s2;
	[sflag:s4] =	ssyncpa.u1 $0x0  }
0xd: {  	p0 =	por $0x0, $0x0;
	[sflag:s7] =	ssyncpa.u1 $0x0;
	s7 =	sor.u32 $0x1, s5  }
.LBB1_4:
0xe: {  	s16 =	sshll.u32 s13, $0x3;
	s17 =	sand.u32 $0x78, s13  }
0xf: {  	s30 =	sand.u32 $0xF800, s13;
	s12 =	sshll.u32 s12, $0x10;
	s16 =	sand.u32 $0x3C00, s16  }
0x10: {  	s31 =	sand.u32 $0x7, s13;
	s16 =	sor.u32 s17, s16;
	s17 =	sadd.s32 s3, s30  }
0x11: {  	s13 =	sshll.u32 s31, $0x12;
	s16 =	sshrl.u32 s16, $0x3;
	s12 =	sadd.s32 s12, s17  }
0x12: {  	[tilespmem:s15+$0x0 ss:$0x81] =	vst.msk $0xffff, v0;
	s13 =	sor.u32 $0x400, s13;
	s12 =	sadd.s32 s16, s12  }
0x13: {  	[hbm4b:s12+s13] =	stream.strided.scatter [tilespmem:s14], [sflag:$0x2], $0x1000, s8, s13, $0x20;
	[tilespmem:$0x4040] =	vst v63  }
.LBB1_5:
0x14: {  	s14 =	sadd.s32 $0x1, s9  }
0x15: {  	s12 =	sadd.s32 $0x1000, s10;
	s16 =	smov.u32 s10;
	p2 =	sgt.s32 s14, $0x19  }
0x16: {  	s16 =	smov.u32 @p2 s12  }
0x17: {  	s14 =	simm.s32 @p2 $0x0;
	p2 =	sgt.s32 s16, $0x3FFF  }
0x18: {  	s16 =	smov.u32 @p2 s2;
	p2 =	sne.s32 s11, s7  }
.Ltmp1:
0x19: {  	p1 =	slt.u32 s11, $0x2;
	(pc) =	sbr.rel @!p2 .LBB1_6-.Ltmp1, $4  }
0x1a: {  	s15 =	simm.s32 @!p1 $0x2  }
0x1b: {  	s13 =	smov.u32 s10;
	p0 =	por !p0, !p0;
	_ =	swait.ge @!p1 [sflag:s15], $0x1000  }
0x1c: {  	s12 =	smov.u32 s9;
	[sflag:s15] =	ssyncset.done @!p1 $0x0;
	s9 =	smov.u32 s14  }
0x1d: {  	s11 =	sadd.s32 $0x1, s11;
	[sflag:s15] =	ssyncadd.s32 @!p1 $0xFFFFF000;
	s10 =	smov.u32 s16  }
.LBB1_1:
0x1e: {  	p1 =	sge.u32 s11, s5  }
0x1f: {  	s31 =	sadd.s32 $0xFFFFFFFF, s11;
	s14 =	sxor.u32 @!p1 $0xFFFFFFFF, s11  }
0x20: {  	s15 =	sshll.u32 @!p1 s10, $0x9;
	s16 =	sshll.u32 @!p1 s9, $0x4;
	s17 =	simm.s32 @!p1 $0x1000  }
0x21: {  	s14 =	sshll.u32 @!p1 s14, $0xC;
	s16 =	sand.u32 @!p1 $0x1F0, s16;
	s15 =	sadd.s32 @!p1 s6, s15  }
0x22: {  	s14 =	sand.u32 @!p1 $0x1000, s14;
	s15 =	sadd.s32 @!p1 s16, s15;
	s16 =	simm.s32 @!p1 $0x20  }
0x23: {  	[tilespmem:s14], [sflag:$0x1] =	stream.strided.gather @!p1 [hbm4b:s15+s16], $0x1000, s17, s16, $0x38;
	[tilespmem:$0x4040] =	vst v63  }
0x24: {  	p1 =	sge.u32 s31, s5  }
.Ltmp2:
0x25: {  	_ = 	snop;
	(pc) =	sbr.rel @p1 .LBB1_5-.Ltmp2, $1  }
0x26: {  	_ =	sdelay $0x3  }
0x27: {  	s14 =	simm.s32 $0x1  }
0x28: {  	_ =	swait.ge [sflag:s4], $0x1000;
	s14 =	simm.s32 @!p0 $0x0  }
0x29: {  	[sflag:s4] =	ssyncset.done $0x0;
	s15 =	sshll.u32 s14, $0xC  }
0x2a: {  	[sflag:s4] =	ssyncadd.s32 $0xFFFFF000;
	s18 =	sor.u32 $0x10, s15  }
0x2b: {  	s14 =	smul.u32 $0x4080, s14;
	v1 =	vld [tilespmem:s18+$0x0]  }
0x2c: {  	s30 =	sand.u32 $0x1, s11;
	v0 =	vld [tilespmem:s18+$0xFFFFFFF0]  }
0x2d: {  	s15 =	smul.u32 $0x4080, s30;
	s14 =	sshrl.u32 s14, $0x2  }
0x2e: {  	s16 =	sor.u32 $0x2000, s14  }
0x2f: {  	s31 =	sshrl.u32 s15, $0x2;
	s15 =	sadd.s32 $0x0, s16  }
0x30: {  	s17 =	simm.s32 $0x4;
	s18 =	sadd.s32 $0x20, s18;
	s14 =	sor.u32 $0x2000, s31;
	[tilespmem:s15+$0x810 ss:$0x81] =	vst.msk $0xffff, v1  }
.LBB1_3:
0x31: {  	v1 =	vld [tilespmem:s18+$0x0];
	p1 =	sne.s32 s17, $0x1FC;
	[tilespmem:s15+$0x0 ss:$0x81] =	vst.msk $0xffff, v0;
	s15 =	smov.u32 s17;
	s17 =	sadd.s32 $0x4, s17  }
.Ltmp3:
0x32: {  	v0 =	vld [tilespmem:s18+$0xFFFFFFF0];
	(pc) =	sbr.rel @p1 .LBB1_3-.Ltmp3, $4  }
0x33: {  	_ = 	snop  }
0x34: {  	s15 =	sshra.s32 s15, $0x2  }
0x35: {  	s15 =	sadd.s32 s15, s16  }
0x36: {  	s18 =	sadd.s32 $0x20, s18;
	[tilespmem:s15+$0x810 ss:$0x81] =	vst.msk $0xffff, v1  }
.Ltmp4:
0x37: {  	_ = 	snop;
	(pc) =	sbr.rel .LBB1_4-.Ltmp4, $1  }
0x38: {  	_ =	sdelay $0x3  }
.LBB1_6:
0x39: {  	_ =	sfence.sel $0x180000  }
0x3a: {  	s2 =	simm.s32 $0x1;
	[bflag:$0x0] =	sbarrier.arrive $0xFFFF  }
0x3b: {  	s31 =	simm.s32 $0x2;
	[sflag:s2] =	ssyncpa.u1 $0x1  }
0x3c: {  	[sflag:s31] =	ssyncpa.u1 $0x1  }
0x3d: {  	p0 =	sne.s32 s0, $0x0;
	_ =	strace $0x9000004A  }
0x3e: {  	s0 =	sadd.s32 @!p0 $0x100000, s1;
	[bflag:$0x2] =	sbarrier.arrive $0xFFFF  }
0x3f: {  	[sflag:s0] =	ssyncadd.tile.s32 @!p0 $0x1;
	_ =	shalt  }
.Lfunc_end1:
_tile_overlayer_lowered:
.L_overlay_start_2:
0x40: {  	(tag) =	ssettag $0x2  }
0x41: {  	s0 =	rddreg [dreg:$0x0];
	s2 =	stileid.u32  }
0x42: {  	s1 =	rddreg [dreg:$0x1];
	p0 =	sne.s32 s2, $0x0  }
0x43: {  	s3 =	rddreg [dreg:$0x2];
	[bflag:$0x3] =	sbarrier.arrive $0xFFFF;
	s2 =	simm.s32 @!p0 $0x1C01  }
0x44: {  	[timem:s3], [sflag:s2] =	dma.local @!p0 [hbm:s0], s1  }
0x45: {  	s0 =	simm.s32 @!p0 $0x1  }
0x46: {  	_ =	swait.ge @!p0 [sflag:s0], s1  }
0x47: {  	s1 =	ssub.s32 @!p0 $0x0, s1;
	[sflag:s0] =	ssyncset.done @!p0 $0x0  }
0x48: {  	[sflag:s0] =	ssyncadd.s32 @!p0 s1  }
0x49: {  	[bflag:$0x3] =	sbarrier.arrive $0xFFFF  }
0x4a: {  	_ =	shalt  }

</sc_bundles>
